<compile_context>
chip_gen: v7x
topology: tpu7x:2x2x1
jax: 0.10.2.dev20260603
libtpu: 0.0.44.dev20260713+nightly
codegen_flags: <defaults>
</compile_context>

<pallas_src>
import functools

import jax
import jax.numpy as jnp
import numpy as np
from jax import lax
from jax.experimental import pallas as pl
from jax.experimental.pallas import tpu as pltpu
from jax.experimental.pallas import tpu_sc as plsc

RADIUS = 1
NNB = 27
FEAT = 128
GRID = 64
CENTER = 13

NC = 2
NS = 16
NW = NC * NS
CH = 128


def _shift_grid():
    r = np.arange(-RADIUS, RADIUS + 1)
    return np.stack(np.meshgrid(r, r, r, indexing="ij"), axis=-1).reshape(-1, 3)


POOL = 3


@functools.partial(jax.jit, static_argnums=(2,))
def _sc_gather(table, ids, n_ch):
    rows_per_w = n_ch * CH
    total = NW * rows_per_w
    n_groups = n_ch // POOL
    n_pairs = n_groups // 2

    def body(table_hbm, ids_hbm, out_hbm, idx_v, bufs, gsem, wsem):
        wid = lax.axis_index("s") * NC + lax.axis_index("c")
        base = wid * rows_per_w
        pltpu.sync_copy(ids_hbm.at[wid], idx_v)

        def start_g(j, p, i):
            pltpu.async_copy(
                table_hbm.at[idx_v.at[j]],
                bufs.at[p].at[pl.ds(i * CH, CH)],
                gsem.at[p * POOL + i])

        def wait_g(p, i):
            pltpu.make_async_copy(
                table_hbm.at[idx_v.at[0]],
                bufs.at[p].at[pl.ds(i * CH, CH)],
                gsem.at[p * POOL + i]).wait()

        def start_w(j0, p):
            pltpu.async_copy(
                bufs.at[p],
                out_hbm.at[pl.ds(base + j0 * CH, POOL * CH)],
                wsem.at[p])

        def wait_w(p):
            pltpu.make_async_copy(
                bufs.at[p],
                out_hbm.at[pl.ds(base, POOL * CH)],
                wsem.at[p]).wait()

        for i in range(POOL):
            start_g(i, 0, i)
        for i in range(POOL):
            start_g(POOL + i, 1, i)

        def pair(t, carry):
            j0 = 2 * t * POOL
            for i in range(POOL):
                wait_g(0, i)
            start_w(j0, 0)
            for i in range(POOL):
                wait_g(1, i)
            start_w(j0 + POOL, 1)
            wait_w(0)
            for i in range(POOL):
                start_g(j0 + 2 * POOL + i, 0, i)
            wait_w(1)
            for i in range(POOL):
                start_g(j0 + 3 * POOL + i, 1, i)
            return carry

        lax.fori_loop(0, n_pairs - 1, pair, 0, unroll=False)

        j0 = 2 * (n_pairs - 1) * POOL
        for i in range(POOL):
            wait_g(0, i)
        start_w(j0, 0)
        for i in range(POOL):
            wait_g(1, i)
        start_w(j0 + POOL, 1)
        wait_w(0)
        wait_w(1)

    mesh = plsc.VectorSubcoreMesh(core_axis_name="c", subcore_axis_name="s")
    f = pl.kernel(
        body,
        out_type=jax.ShapeDtypeStruct((total, FEAT), jnp.float32),
        mesh=mesh,
        scratch_types=[
            pltpu.VMEM((n_ch, CH), jnp.int32),
            pltpu.VMEM((2, POOL * CH, FEAT), jnp.float32),
            pltpu.SemaphoreType.DMA((2 * POOL,)),
            pltpu.SemaphoreType.DMA((2,)),
        ],
    )
    return f(table, ids)


def _tc_matmul(gathered, mask, wt, b, block_n):
    n = gathered.shape[1]

    def body(g_ref, m_ref, wt_ref, b_ref, out_ref):
        m = m_ref[...]
        acc = jnp.broadcast_to(b_ref[...], (block_n, FEAT))
        for k in range(NNB):
            gk = (g_ref[k] * m[:, k:k + 1]).astype(jnp.bfloat16)
            acc = acc + jax.lax.dot_general(
                gk, wt_ref[k], (((1,), (0,)), ((), ())),
                preferred_element_type=jnp.float32)
        out_ref[...] = jnp.concatenate([g_ref[CENTER], acc], axis=1)

    return pl.pallas_call(
        body,
        grid=(n // block_n,),
        in_specs=[
            pl.BlockSpec((NNB, block_n, FEAT), lambda i: (0, i, 0)),
            pl.BlockSpec((block_n, NNB), lambda i: (i, 0)),
            pl.BlockSpec((NNB, FEAT, FEAT), lambda i: (0, 0, 0)),
            pl.BlockSpec((1, FEAT), lambda i: (0, 0)),
        ],
        out_specs=pl.BlockSpec((block_n, 2 * FEAT), lambda i: (i, 0)),
        out_shape=jax.ShapeDtypeStruct((n, 2 * FEAT), jnp.float32),
    )(gathered, mask, wt, b)


def kernel(query_indices, query_points, feature_volume, count_volume, W, b):
    del query_points, count_volume
    qi = query_indices.reshape(-1, 3)
    n = qi.shape[0]

    shift = jnp.asarray(_shift_grid(), dtype=jnp.int32)
    nb = qi[None, :, :] + shift[:, None, :]
    mask = jnp.all((nb >= 0) & (nb < GRID), axis=-1).T.astype(jnp.float32)
    nbc = jnp.clip(nb, 0, GRID - 1)
    ids = (nbc[..., 0] * GRID + nbc[..., 1]) * GRID + nbc[..., 2]

    table = feature_volume.reshape(GRID * GRID * GRID, FEAT)
    wt3 = W.T.reshape(NNB, FEAT, FEAT).astype(jnp.bfloat16)
    b2 = b.reshape(1, FEAT)
    ids_km = ids

    n_slices = 1
    ns = n // n_slices
    rows_per_w = NNB * ns // NW
    n_ch = rows_per_w // CH
    outs = []
    for s in range(n_slices):
        ids_s = ids_km[:, s * ns:(s + 1) * ns].reshape(NW, n_ch, CH)
        g_s = _sc_gather(table, ids_s, n_ch).reshape(NNB, ns, FEAT)
        m_s = mask[s * ns:(s + 1) * ns]
        outs.append(_tc_matmul(g_s, m_s, wt3, b2, block_n=1024))
    out = jnp.concatenate(outs, axis=0)
    return (out, qi)

# --- scband reference (transcript-rebuilt; emitter-appended) ---
"""Pipeline reference for scband-interpolator-76811195122374 (READ-ONLY COPY).

The authoritative reference and input builder live on the scoring server;
editing this copy changes nothing except your own understanding.
"""

import jax, jax.numpy as jnp
import numpy as np

RADIUS = 1
N_NEIGHBORS = (2 * RADIUS + 1) ** 3
LEN_FEATURE = 128


def _index_shift(radius):
    r = np.arange(-radius, radius + 1)
    grid = np.stack(np.meshgrid(r, r, r, indexing='ij'), axis=-1).reshape(-1, 3)
    return jnp.asarray(grid, dtype=jnp.int32)


def setup_inputs(seed: int = 0) -> dict:
    key = jax.random.key(seed)
    k1, k2, k3, k4, k5 = jax.random.split(key, 5)
    query_indices = jax.random.randint(k1, (16, 32, 32, 3), 0, 64).astype(jnp.int32)
    query_points = jax.random.normal(k2, (16, 32, 32, 3), dtype=jnp.float32)
    feature_volume = jax.random.normal(k3, (64, 64, 64, LEN_FEATURE), dtype=jnp.float32)
    count_volume = jax.random.uniform(k4, (64, 64, 64), dtype=jnp.float32)
    W = jax.random.normal(k5, (LEN_FEATURE, N_NEIGHBORS * LEN_FEATURE), dtype=jnp.float32) * 0.02
    b = jnp.zeros((LEN_FEATURE,), dtype=jnp.float32)
    return {
        'query_indices': query_indices,
        'query_points': query_points,
        'feature_volume': feature_volume,
        'count_volume': count_volume,
        'W': W,
        'b': b,
    }


def reference(query_indices, query_points, feature_volume, count_volume, W, b):
    shift = _index_shift(RADIUS)
    n = feature_volume.shape[-1]
    qi = query_indices.reshape(-1, 3)
    # neighbor indices: [N, 27, 3] -> [N*27, 3], shifted into padded coords
    ni = (qi[:, None, :] + shift[None, :, :]).reshape(-1, 3) + RADIUS
    padded = jnp.pad(feature_volume, ((RADIUS, RADIUS), (RADIUS, RADIUS), (RADIUS, RADIUS), (0, 0)))
    gathered = padded[ni[:, 0], ni[:, 1], ni[:, 2]]
    gathered = gathered.reshape(-1, N_NEIGHBORS * n).astype(jnp.float32)
    lin = gathered @ W.T + b
    qf = feature_volume[qi[:, 0], qi[:, 1], qi[:, 2]].astype(jnp.float32)
    out = jnp.concatenate([qf, lin], axis=-1)
    return (out, qi)

if __name__ == "__main__":
    import jax
    _d = setup_inputs()
    print(jax.jit(kernel)(*tuple(_d.values())))

</pallas_src>

<mosaic_0001>
#map = affine_map<(d0, d1) -> (0, 0)>
#map1 = affine_map<(d0, d1) -> (0, 0, 0)>
module attributes {stable_mosaic.version = 14 : i64} {
  func.func @body(%arg0: i32, %arg1: i32, %arg2: memref<262144x128xf32, #tpu.memory_space<hbm>>, %arg3: memref<32x108x128xi32, #tpu.memory_space<hbm>>, %arg4: memref<442368x128xf32, #tpu.memory_space<hbm>>, %arg5: memref<108x128xi32, #tpu.memory_space<vmem>>, %arg6: memref<2x384x128xf32, #tpu.memory_space<vmem>>, %arg7: memref<6x!tpu.dma_semaphore, #tpu.memory_space<semaphore_mem>>, %arg8: memref<2x!tpu.dma_semaphore, #tpu.memory_space<semaphore_mem>>) attributes {dimension_semantics = [#tpu.dimension_semantics<core_parallel>, #tpu.dimension_semantics<subcore_parallel>], iteration_bounds = array<i64: 2, 16>, scalar_prefetch = 0 : i64, scratch_operands = 4 : i64, tpu.core_type = #tpu.core_type<sc_vector_subcore>, window_params = [{transform_indices = #map}, {transform_indices = #map1}, {transform_indices = #map}]} {
    %mul3A = arith.constant 2 : i32
    %mul3A_0 = arith.muli %arg1, %mul3A : i32
    %add3A = arith.addi %mul3A_0, %arg0 : i32
    %mul3A_1 = arith.constant 13824 : i32
    %mul3A_2 = arith.muli %add3A, %mul3A_1 : i32
    "tpu.region"() ({
      %run_scoped3A = tpu.sem_alloc : memref<!tpu.dma_semaphore, #tpu.memory_space<semaphore_mem>>
      %dma_start3A_290 = arith.constant 0 : i32
      %dma_start3A_291 = arith.constant 0 : i32
      %dma_start3A_292 = tpu.memref_slice %arg3[%add3A, %dma_start3A_290, %dma_start3A_291] : memref<32x108x128xi32, #tpu.memory_space<hbm>> -> memref<1x108x128xi32, #tpu.memory_space<hbm>>
      %dma_start3A_293 = tpu.memref_squeeze %dma_start3A_292 : memref<1x108x128xi32, #tpu.memory_space<hbm>> -> memref<108x128xi32, #tpu.memory_space<hbm>>
      %dma_start3A_294 = arith.constant 0 : i32
      %dma_start3A_295 = arith.constant 0 : i32
      %dma_start3A_296 = tpu.memref_slice %arg3[%add3A, %dma_start3A_294, %dma_start3A_295] : memref<32x108x128xi32, #tpu.memory_space<hbm>> -> memref<1x108x128xi32, #tpu.memory_space<hbm>>
      %dma_start3A_297 = tpu.memref_squeeze %dma_start3A_296 : memref<1x108x128xi32, #tpu.memory_space<hbm>> -> memref<108x128xi32, #tpu.memory_space<hbm>>
      tpu.enqueue_dma source(%dma_start3A_297 : memref<108x128xi32, #tpu.memory_space<hbm>>) target(%arg5 : memref<108x128xi32, #tpu.memory_space<vmem>>) target_semaphore(%run_scoped3A : memref<!tpu.dma_semaphore, #tpu.memory_space<semaphore_mem>>)
      %dma_wait3A_298 = arith.constant 0 : i32
      %dma_wait3A_299 = arith.constant 0 : i32
      %dma_wait3A_300 = tpu.memref_slice %arg3[%add3A, %dma_wait3A_298, %dma_wait3A_299] : memref<32x108x128xi32, #tpu.memory_space<hbm>> -> memref<1x108x128xi32, #tpu.memory_space<hbm>>
      %dma_wait3A_301 = tpu.memref_squeeze %dma_wait3A_300 : memref<1x108x128xi32, #tpu.memory_space<hbm>> -> memref<108x128xi32, #tpu.memory_space<hbm>>
      %dma_wait3A_302 = arith.constant 0 : i32
      %dma_wait3A_303 = arith.constant 0 : i32
      %dma_wait3A_304 = tpu.memref_slice %arg3[%add3A, %dma_wait3A_302, %dma_wait3A_303] : memref<32x108x128xi32, #tpu.memory_space<hbm>> -> memref<1x108x128xi32, #tpu.memory_space<hbm>>
      %dma_wait3A_305 = tpu.memref_squeeze %dma_wait3A_304 : memref<1x108x128xi32, #tpu.memory_space<hbm>> -> memref<108x128xi32, #tpu.memory_space<hbm>>
      tpu.wait_dma2 semaphore(%run_scoped3A : memref<!tpu.dma_semaphore, #tpu.memory_space<semaphore_mem>>) src(%dma_wait3A_305 : memref<108x128xi32, #tpu.memory_space<hbm>>) dst(%arg5 : memref<108x128xi32, #tpu.memory_space<vmem>>)
      tpu.yield
    }) : () -> ()
    %dma_start3A = arith.constant 0 : i32
    %dma_start3A_3 = arith.constant 0 : i32
    %dma_start3A_4 = arith.constant 0 : i32
    %dma_start3A_5 = arith.constant 0 : i32
    %dma_start3A_6 = arith.constant 0 : i32
    %dma_start3A_7 = tpu.memref_slice %arg6[%dma_start3A_3, %dma_start3A_5, %dma_start3A_6] : memref<2x384x128xf32, #tpu.memory_space<vmem>> -> memref<1x384x128xf32, #tpu.memory_space<vmem>>
    %dma_start3A_8 = tpu.memref_squeeze %dma_start3A_7 : memref<1x384x128xf32, #tpu.memory_space<vmem>> -> memref<384x128xf32, #tpu.memory_space<vmem>>
    %dma_start3A_9 = arith.constant 0 : i32
    %dma_start3A_10 = arith.constant 0 : i32
    %dma_start3A_11 = tpu.memref_slice %dma_start3A_8[%dma_start3A_9, %dma_start3A_10] : memref<384x128xf32, #tpu.memory_space<vmem>> -> memref<128x128xf32, #tpu.memory_space<vmem>>
    %dma_start3A_12 = arith.constant 0 : i32
    %dma_start3A_13 = tpu.memref_slice %arg5[%dma_start3A, %dma_start3A_12] : memref<108x128xi32, #tpu.memory_space<vmem>> -> memref<1x128xi32, #tpu.memory_space<vmem>>
    %dma_start3A_14 = tpu.memref_squeeze %dma_start3A_13 : memref<1x128xi32, #tpu.memory_space<vmem>> -> memref<128xi32, #tpu.memory_space<vmem>>
    %dma_start3A_15 = arith.constant 0 : i32
    %dma_start3A_16 = arith.constant 0 : i32
    %dma_start3A_17 = tpu.memref_slice %arg2[%dma_start3A_15, %dma_start3A_16] : memref<262144x128xf32, #tpu.memory_space<hbm>> -> memref<262144x128xf32, #tpu.memory_space<hbm>>
    %dma_start3A_18 = tpu.memref_slice %arg7[%dma_start3A_4] : memref<6x!tpu.dma_semaphore, #tpu.memory_space<semaphore_mem>> -> memref<1x!tpu.dma_semaphore, #tpu.memory_space<semaphore_mem>>
    %dma_start3A_19 = tpu.memref_squeeze %dma_start3A_18 : memref<1x!tpu.dma_semaphore, #tpu.memory_space<semaphore_mem>> -> memref<!tpu.dma_semaphore, #tpu.memory_space<semaphore_mem>>
    tpu.enqueue_indirect_dma source(%dma_start3A_17 : memref<262144x128xf32, #tpu.memory_space<hbm>>) target(%dma_start3A_11 : memref<128x128xf32, #tpu.memory_space<vmem>>) offsets(%dma_start3A_14 : memref<128xi32, #tpu.memory_space<vmem>>) semaphore(%dma_start3A_19 : memref<!tpu.dma_semaphore, #tpu.memory_space<semaphore_mem>>)
    %dma_start3A_20 = arith.constant 1 : i32
    %dma_start3A_21 = arith.constant 0 : i32
    %dma_start3A_22 = arith.constant 1 : i32
    %dma_start3A_23 = arith.constant 0 : i32
    %dma_start3A_24 = arith.constant 0 : i32
    %dma_start3A_25 = tpu.memref_slice %arg6[%dma_start3A_21, %dma_start3A_23, %dma_start3A_24] : memref<2x384x128xf32, #tpu.memory_space<vmem>> -> memref<1x384x128xf32, #tpu.memory_space<vmem>>
    %dma_start3A_26 = tpu.memref_squeeze %dma_start3A_25 : memref<1x384x128xf32, #tpu.memory_space<vmem>> -> memref<384x128xf32, #tpu.memory_space<vmem>>
    %dma_start3A_27 = arith.constant 128 : i32
    %dma_start3A_28 = arith.constant 0 : i32
    %dma_start3A_29 = tpu.memref_slice %dma_start3A_26[%dma_start3A_27, %dma_start3A_28] : memref<384x128xf32, #tpu.memory_space<vmem>> -> memref<128x128xf32, #tpu.memory_space<vmem>>
    %dma_start3A_30 = arith.constant 0 : i32
    %dma_start3A_31 = tpu.memref_slice %arg5[%dma_start3A_20, %dma_start3A_30] : memref<108x128xi32, #tpu.memory_space<vmem>> -> memref<1x128xi32, #tpu.memory_space<vmem>>
    %dma_start3A_32 = tpu.memref_squeeze %dma_start3A_31 : memref<1x128xi32, #tpu.memory_space<vmem>> -> memref<128xi32, #tpu.memory_space<vmem>>
    %dma_start3A_33 = arith.constant 0 : i32
    %dma_start3A_34 = arith.constant 0 : i32
    %dma_start3A_35 = tpu.memref_slice %arg2[%dma_start3A_33, %dma_start3A_34] : memref<262144x128xf32, #tpu.memory_space<hbm>> -> memref<262144x128xf32, #tpu.memory_space<hbm>>
    %dma_start3A_36 = tpu.memref_slice %arg7[%dma_start3A_22] : memref<6x!tpu.dma_semaphore, #tpu.memory_space<semaphore_mem>> -> memref<1x!tpu.dma_semaphore, #tpu.memory_space<semaphore_mem>>
    %dma_start3A_37 = tpu.memref_squeeze %dma_start3A_36 : memref<1x!tpu.dma_semaphore, #tpu.memory_space<semaphore_mem>> -> memref<!tpu.dma_semaphore, #tpu.memory_space<semaphore_mem>>
    tpu.enqueue_indirect_dma source(%dma_start3A_35 : memref<262144x128xf32, #tpu.memory_space<hbm>>) target(%dma_start3A_29 : memref<128x128xf32, #tpu.memory_space<vmem>>) offsets(%dma_start3A_32 : memref<128xi32, #tpu.memory_space<vmem>>) semaphore(%dma_start3A_37 : memref<!tpu.dma_semaphore, #tpu.memory_space<semaphore_mem>>)
    %dma_start3A_38 = arith.constant 2 : i32
    %dma_start3A_39 = arith.constant 0 : i32
    %dma_start3A_40 = arith.constant 2 : i32
    %dma_start3A_41 = arith.constant 0 : i32
    %dma_start3A_42 = arith.constant 0 : i32
    %dma_start3A_43 = tpu.memref_slice %arg6[%dma_start3A_39, %dma_start3A_41, %dma_start3A_42] : memref<2x384x128xf32, #tpu.memory_space<vmem>> -> memref<1x384x128xf32, #tpu.memory_space<vmem>>
    %dma_start3A_44 = tpu.memref_squeeze %dma_start3A_43 : memref<1x384x128xf32, #tpu.memory_space<vmem>> -> memref<384x128xf32, #tpu.memory_space<vmem>>
    %dma_start3A_45 = arith.constant 256 : i32
    %dma_start3A_46 = arith.constant 0 : i32
    %dma_start3A_47 = tpu.memref_slice %dma_start3A_44[%dma_start3A_45, %dma_start3A_46] : memref<384x128xf32, #tpu.memory_space<vmem>> -> memref<128x128xf32, #tpu.memory_space<vmem>>
    %dma_start3A_48 = arith.constant 0 : i32
    %dma_start3A_49 = tpu.memref_slice %arg5[%dma_start3A_38, %dma_start3A_48] : memref<108x128xi32, #tpu.memory_space<vmem>> -> memref<1x128xi32, #tpu.memory_space<vmem>>
    %dma_start3A_50 = tpu.memref_squeeze %dma_start3A_49 : memref<1x128xi32, #tpu.memory_space<vmem>> -> memref<128xi32, #tpu.memory_space<vmem>>
    %dma_start3A_51 = arith.constant 0 : i32
    %dma_start3A_52 = arith.constant 0 : i32
    %dma_start3A_53 = tpu.memref_slice %arg2[%dma_start3A_51, %dma_start3A_52] : memref<262144x128xf32, #tpu.memory_space<hbm>> -> memref<262144x128xf32, #tpu.memory_space<hbm>>
    %dma_start3A_54 = tpu.memref_slice %arg7[%dma_start3A_40] : memref<6x!tpu.dma_semaphore, #tpu.memory_space<semaphore_mem>> -> memref<1x!tpu.dma_semaphore, #tpu.memory_space<semaphore_mem>>
    %dma_start3A_55 = tpu.memref_squeeze %dma_start3A_54 : memref<1x!tpu.dma_semaphore, #tpu.memory_space<semaphore_mem>> -> memref<!tpu.dma_semaphore, #tpu.memory_space<semaphore_mem>>
    tpu.enqueue_indirect_dma source(%dma_start3A_53 : memref<262144x128xf32, #tpu.memory_space<hbm>>) target(%dma_start3A_47 : memref<128x128xf32, #tpu.memory_space<vmem>>) offsets(%dma_start3A_50 : memref<128xi32, #tpu.memory_space<vmem>>) semaphore(%dma_start3A_55 : memref<!tpu.dma_semaphore, #tpu.memory_space<semaphore_mem>>)
    %dma_start3A_56 = arith.constant 3 : i32
    %dma_start3A_57 = arith.constant 1 : i32
    %dma_start3A_58 = arith.constant 3 : i32
    %dma_start3A_59 = arith.constant 0 : i32
    %dma_start3A_60 = arith.constant 0 : i32
    %dma_start3A_61 = tpu.memref_slice %arg6[%dma_start3A_57, %dma_start3A_59, %dma_start3A_60] : memref<2x384x128xf32, #tpu.memory_space<vmem>> -> memref<1x384x128xf32, #tpu.memory_space<vmem>>
    %dma_start3A_62 = tpu.memref_squeeze %dma_start3A_61 : memref<1x384x128xf32, #tpu.memory_space<vmem>> -> memref<384x128xf32, #tpu.memory_space<vmem>>
    %dma_start3A_63 = arith.constant 0 : i32
    %dma_start3A_64 = arith.constant 0 : i32
    %dma_start3A_65 = tpu.memref_slice %dma_start3A_62[%dma_start3A_63, %dma_start3A_64] : memref<384x128xf32, #tpu.memory_space<vmem>> -> memref<128x128xf32, #tpu.memory_space<vmem>>
    %dma_start3A_66 = arith.constant 0 : i32
    %dma_start3A_67 = tpu.memref_slice %arg5[%dma_start3A_56, %dma_start3A_66] : memref<108x128xi32, #tpu.memory_space<vmem>> -> memref<1x128xi32, #tpu.memory_space<vmem>>
    %dma_start3A_68 = tpu.memref_squeeze %dma_start3A_67 : memref<1x128xi32, #tpu.memory_space<vmem>> -> memref<128xi32, #tpu.memory_space<vmem>>
    %dma_start3A_69 = arith.constant 0 : i32
    %dma_start3A_70 = arith.constant 0 : i32
    %dma_start3A_71 = tpu.memref_slice %arg2[%dma_start3A_69, %dma_start3A_70] : memref<262144x128xf32, #tpu.memory_space<hbm>> -> memref<262144x128xf32, #tpu.memory_space<hbm>>
    %dma_start3A_72 = tpu.memref_slice %arg7[%dma_start3A_58] : memref<6x!tpu.dma_semaphore, #tpu.memory_space<semaphore_mem>> -> memref<1x!tpu.dma_semaphore, #tpu.memory_space<semaphore_mem>>
    %dma_start3A_73 = tpu.memref_squeeze %dma_start3A_72 : memref<1x!tpu.dma_semaphore, #tpu.memory_space<semaphore_mem>> -> memref<!tpu.dma_semaphore, #tpu.memory_space<semaphore_mem>>
    tpu.enqueue_indirect_dma source(%dma_start3A_71 : memref<262144x128xf32, #tpu.memory_space<hbm>>) target(%dma_start3A_65 : memref<128x128xf32, #tpu.memory_space<vmem>>) offsets(%dma_start3A_68 : memref<128xi32, #tpu.memory_space<vmem>>) semaphore(%dma_start3A_73 : memref<!tpu.dma_semaphore, #tpu.memory_space<semaphore_mem>>)
    %dma_start3A_74 = arith.constant 4 : i32
    %dma_start3A_75 = arith.constant 1 : i32
    %dma_start3A_76 = arith.constant 4 : i32
    %dma_start3A_77 = arith.constant 0 : i32
    %dma_start3A_78 = arith.constant 0 : i32
    %dma_start3A_79 = tpu.memref_slice %arg6[%dma_start3A_75, %dma_start3A_77, %dma_start3A_78] : memref<2x384x128xf32, #tpu.memory_space<vmem>> -> memref<1x384x128xf32, #tpu.memory_space<vmem>>
    %dma_start3A_80 = tpu.memref_squeeze %dma_start3A_79 : memref<1x384x128xf32, #tpu.memory_space<vmem>> -> memref<384x128xf32, #tpu.memory_space<vmem>>
    %dma_start3A_81 = arith.constant 128 : i32
    %dma_start3A_82 = arith.constant 0 : i32
    %dma_start3A_83 = tpu.memref_slice %dma_start3A_80[%dma_start3A_81, %dma_start3A_82] : memref<384x128xf32, #tpu.memory_space<vmem>> -> memref<128x128xf32, #tpu.memory_space<vmem>>
    %dma_start3A_84 = arith.constant 0 : i32
    %dma_start3A_85 = tpu.memref_slice %arg5[%dma_start3A_74, %dma_start3A_84] : memref<108x128xi32, #tpu.memory_space<vmem>> -> memref<1x128xi32, #tpu.memory_space<vmem>>
    %dma_start3A_86 = tpu.memref_squeeze %dma_start3A_85 : memref<1x128xi32, #tpu.memory_space<vmem>> -> memref<128xi32, #tpu.memory_space<vmem>>
    %dma_start3A_87 = arith.constant 0 : i32
    %dma_start3A_88 = arith.constant 0 : i32
    %dma_start3A_89 = tpu.memref_slice %arg2[%dma_start3A_87, %dma_start3A_88] : memref<262144x128xf32, #tpu.memory_space<hbm>> -> memref<262144x128xf32, #tpu.memory_space<hbm>>
    %dma_start3A_90 = tpu.memref_slice %arg7[%dma_start3A_76] : memref<6x!tpu.dma_semaphore, #tpu.memory_space<semaphore_mem>> -> memref<1x!tpu.dma_semaphore, #tpu.memory_space<semaphore_mem>>
    %dma_start3A_91 = tpu.memref_squeeze %dma_start3A_90 : memref<1x!tpu.dma_semaphore, #tpu.memory_space<semaphore_mem>> -> memref<!tpu.dma_semaphore, #tpu.memory_space<semaphore_mem>>
    tpu.enqueue_indirect_dma source(%dma_start3A_89 : memref<262144x128xf32, #tpu.memory_space<hbm>>) target(%dma_start3A_83 : memref<128x128xf32, #tpu.memory_space<vmem>>) offsets(%dma_start3A_86 : memref<128xi32, #tpu.memory_space<vmem>>) semaphore(%dma_start3A_91 : memref<!tpu.dma_semaphore, #tpu.memory_space<semaphore_mem>>)
    %dma_start3A_92 = arith.constant 5 : i32
    %dma_start3A_93 = arith.constant 1 : i32
    %dma_start3A_94 = arith.constant 5 : i32
    %dma_start3A_95 = arith.constant 0 : i32
    %dma_start3A_96 = arith.constant 0 : i32
    %dma_start3A_97 = tpu.memref_slice %arg6[%dma_start3A_93, %dma_start3A_95, %dma_start3A_96] : memref<2x384x128xf32, #tpu.memory_space<vmem>> -> memref<1x384x128xf32, #tpu.memory_space<vmem>>
    %dma_start3A_98 = tpu.memref_squeeze %dma_start3A_97 : memref<1x384x128xf32, #tpu.memory_space<vmem>> -> memref<384x128xf32, #tpu.memory_space<vmem>>
    %dma_start3A_99 = arith.constant 256 : i32
    %dma_start3A_100 = arith.constant 0 : i32
    %dma_start3A_101 = tpu.memref_slice %dma_start3A_98[%dma_start3A_99, %dma_start3A_100] : memref<384x128xf32, #tpu.memory_space<vmem>> -> memref<128x128xf32, #tpu.memory_space<vmem>>
    %dma_start3A_102 = arith.constant 0 : i32
    %dma_start3A_103 = tpu.memref_slice %arg5[%dma_start3A_92, %dma_start3A_102] : memref<108x128xi32, #tpu.memory_space<vmem>> -> memref<1x128xi32, #tpu.memory_space<vmem>>
    %dma_start3A_104 = tpu.memref_squeeze %dma_start3A_103 : memref<1x128xi32, #tpu.memory_space<vmem>> -> memref<128xi32, #tpu.memory_space<vmem>>
    %dma_start3A_105 = arith.constant 0 : i32
    %dma_start3A_106 = arith.constant 0 : i32
    %dma_start3A_107 = tpu.memref_slice %arg2[%dma_start3A_105, %dma_start3A_106] : memref<262144x128xf32, #tpu.memory_space<hbm>> -> memref<262144x128xf32, #tpu.memory_space<hbm>>
    %dma_start3A_108 = tpu.memref_slice %arg7[%dma_start3A_94] : memref<6x!tpu.dma_semaphore, #tpu.memory_space<semaphore_mem>> -> memref<1x!tpu.dma_semaphore, #tpu.memory_space<semaphore_mem>>
    %dma_start3A_109 = tpu.memref_squeeze %dma_start3A_108 : memref<1x!tpu.dma_semaphore, #tpu.memory_space<semaphore_mem>> -> memref<!tpu.dma_semaphore, #tpu.memory_space<semaphore_mem>>
    tpu.enqueue_indirect_dma source(%dma_start3A_107 : memref<262144x128xf32, #tpu.memory_space<hbm>>) target(%dma_start3A_101 : memref<128x128xf32, #tpu.memory_space<vmem>>) offsets(%dma_start3A_104 : memref<128xi32, #tpu.memory_space<vmem>>) semaphore(%dma_start3A_109 : memref<!tpu.dma_semaphore, #tpu.memory_space<semaphore_mem>>)
    %scan3A = arith.constant 0 : i32
    %scan3A_110 = arith.constant 0 : i32
    %scan3A_111 = arith.constant 17 : i32
    %scan3A_112 = arith.addi %scan3A_110, %scan3A_111 : i32
    %scan3A_113 = arith.constant 1 : i32
    scf.for %scan3A_290 = %scan3A_110 to %scan3A_112 step %scan3A_113  : i32 {
      %mul3A_291 = arith.constant 2 : i32
      %mul3A_292 = arith.muli %mul3A_291, %scan3A_290 : i32
      %mul3A_293 = arith.constant 3 : i32
      %mul3A_294 = arith.muli %mul3A_292, %mul3A_293 : i32
      %dma_wait3A_295 = arith.constant 0 : i32
      %dma_wait3A_296 = arith.constant 0 : i32
      %dma_wait3A_297 = arith.constant 0 : i32
      %dma_wait3A_298 = arith.constant 0 : i32
      %dma_wait3A_299 = arith.constant 0 : i32
      %dma_wait3A_300 = tpu.memref_slice %arg6[%dma_wait3A_296, %dma_wait3A_298, %dma_wait3A_299] : memref<2x384x128xf32, #tpu.memory_space<vmem>> -> memref<1x384x128xf32, #tpu.memory_space<vmem>>
      %dma_wait3A_301 = tpu.memref_squeeze %dma_wait3A_300 : memref<1x384x128xf32, #tpu.memory_space<vmem>> -> memref<384x128xf32, #tpu.memory_space<vmem>>
      %dma_wait3A_302 = arith.constant 0 : i32
      %dma_wait3A_303 = arith.constant 0 : i32
      %dma_wait3A_304 = tpu.memref_slice %dma_wait3A_301[%dma_wait3A_302, %dma_wait3A_303] : memref<384x128xf32, #tpu.memory_space<vmem>> -> memref<128x128xf32, #tpu.memory_space<vmem>>
      %dma_wait3A_305 = arith.constant 0 : i32
      %dma_wait3A_306 = tpu.memref_slice %arg5[%dma_wait3A_295, %dma_wait3A_305] : memref<108x128xi32, #tpu.memory_space<vmem>> -> memref<1x128xi32, #tpu.memory_space<vmem>>
      %dma_wait3A_307 = tpu.memref_squeeze %dma_wait3A_306 : memref<1x128xi32, #tpu.memory_space<vmem>> -> memref<128xi32, #tpu.memory_space<vmem>>
      %dma_wait3A_308 = arith.constant 0 : i32
      %dma_wait3A_309 = arith.constant 0 : i32
      %dma_wait3A_310 = tpu.memref_slice %arg2[%dma_wait3A_308, %dma_wait3A_309] : memref<262144x128xf32, #tpu.memory_space<hbm>> -> memref<262144x128xf32, #tpu.memory_space<hbm>>
      %dma_wait3A_311 = tpu.memref_slice %arg7[%dma_wait3A_297] : memref<6x!tpu.dma_semaphore, #tpu.memory_space<semaphore_mem>> -> memref<1x!tpu.dma_semaphore, #tpu.memory_space<semaphore_mem>>
      %dma_wait3A_312 = tpu.memref_squeeze %dma_wait3A_311 : memref<1x!tpu.dma_semaphore, #tpu.memory_space<semaphore_mem>> -> memref<!tpu.dma_semaphore, #tpu.memory_space<semaphore_mem>>
      tpu.wait_indirect_dma semaphore(%dma_wait3A_312 : memref<!tpu.dma_semaphore, #tpu.memory_space<semaphore_mem>>) src(%dma_wait3A_310 : memref<262144x128xf32, #tpu.memory_space<hbm>>) dst(%dma_wait3A_304 : memref<128x128xf32, #tpu.memory_space<vmem>>)
      %dma_wait3A_313 = arith.constant 0 : i32
      %dma_wait3A_314 = arith.constant 0 : i32
      %dma_wait3A_315 = arith.constant 1 : i32
      %dma_wait3A_316 = arith.constant 0 : i32
      %dma_wait3A_317 = arith.constant 0 : i32
      %dma_wait3A_318 = tpu.memref_slice %arg6[%dma_wait3A_314, %dma_wait3A_316, %dma_wait3A_317] : memref<2x384x128xf32, #tpu.memory_space<vmem>> -> memref<1x384x128xf32, #tpu.memory_space<vmem>>
      %dma_wait3A_319 = tpu.memref_squeeze %dma_wait3A_318 : memref<1x384x128xf32, #tpu.memory_space<vmem>> -> memref<384x128xf32, #tpu.memory_space<vmem>>
      %dma_wait3A_320 = arith.constant 128 : i32
      %dma_wait3A_321 = arith.constant 0 : i32
      %dma_wait3A_322 = tpu.memref_slice %dma_wait3A_319[%dma_wait3A_320, %dma_wait3A_321] : memref<384x128xf32, #tpu.memory_space<vmem>> -> memref<128x128xf32, #tpu.memory_space<vmem>>
      %dma_wait3A_323 = arith.constant 0 : i32
      %dma_wait3A_324 = tpu.memref_slice %arg5[%dma_wait3A_313, %dma_wait3A_323] : memref<108x128xi32, #tpu.memory_space<vmem>> -> memref<1x128xi32, #tpu.memory_space<vmem>>
      %dma_wait3A_325 = tpu.memref_squeeze %dma_wait3A_324 : memref<1x128xi32, #tpu.memory_space<vmem>> -> memref<128xi32, #tpu.memory_space<vmem>>
      %dma_wait3A_326 = arith.constant 0 : i32
      %dma_wait3A_327 = arith.constant 0 : i32
      %dma_wait3A_328 = tpu.memref_slice %arg2[%dma_wait3A_326, %dma_wait3A_327] : memref<262144x128xf32, #tpu.memory_space<hbm>> -> memref<262144x128xf32, #tpu.memory_space<hbm>>
      %dma_wait3A_329 = tpu.memref_slice %arg7[%dma_wait3A_315] : memref<6x!tpu.dma_semaphore, #tpu.memory_space<semaphore_mem>> -> memref<1x!tpu.dma_semaphore, #tpu.memory_space<semaphore_mem>>
      %dma_wait3A_330 = tpu.memref_squeeze %dma_wait3A_329 : memref<1x!tpu.dma_semaphore, #tpu.memory_space<semaphore_mem>> -> memref<!tpu.dma_semaphore, #tpu.memory_space<semaphore_mem>>
      tpu.wait_indirect_dma semaphore(%dma_wait3A_330 : memref<!tpu.dma_semaphore, #tpu.memory_space<semaphore_mem>>) src(%dma_wait3A_328 : memref<262144x128xf32, #tpu.memory_space<hbm>>) dst(%dma_wait3A_322 : memref<128x128xf32, #tpu.memory_space<vmem>>)
      %dma_wait3A_331 = arith.constant 0 : i32
      %dma_wait3A_332 = arith.constant 0 : i32
      %dma_wait3A_333 = arith.constant 2 : i32
      %dma_wait3A_334 = arith.constant 0 : i32
      %dma_wait3A_335 = arith.constant 0 : i32
      %dma_wait3A_336 = tpu.memref_slice %arg6[%dma_wait3A_332, %dma_wait3A_334, %dma_wait3A_335] : memref<2x384x128xf32, #tpu.memory_space<vmem>> -> memref<1x384x128xf32, #tpu.memory_space<vmem>>
      %dma_wait3A_337 = tpu.memref_squeeze %dma_wait3A_336 : memref<1x384x128xf32, #tpu.memory_space<vmem>> -> memref<384x128xf32, #tpu.memory_space<vmem>>
      %dma_wait3A_338 = arith.constant 256 : i32
      %dma_wait3A_339 = arith.constant 0 : i32
      %dma_wait3A_340 = tpu.memref_slice %dma_wait3A_337[%dma_wait3A_338, %dma_wait3A_339] : memref<384x128xf32, #tpu.memory_space<vmem>> -> memref<128x128xf32, #tpu.memory_space<vmem>>
      %dma_wait3A_341 = arith.constant 0 : i32
      %dma_wait3A_342 = tpu.memref_slice %arg5[%dma_wait3A_331, %dma_wait3A_341] : memref<108x128xi32, #tpu.memory_space<vmem>> -> memref<1x128xi32, #tpu.memory_space<vmem>>
      %dma_wait3A_343 = tpu.memref_squeeze %dma_wait3A_342 : memref<1x128xi32, #tpu.memory_space<vmem>> -> memref<128xi32, #tpu.memory_space<vmem>>
      %dma_wait3A_344 = arith.constant 0 : i32
      %dma_wait3A_345 = arith.constant 0 : i32
      %dma_wait3A_346 = tpu.memref_slice %arg2[%dma_wait3A_344, %dma_wait3A_345] : memref<262144x128xf32, #tpu.memory_space<hbm>> -> memref<262144x128xf32, #tpu.memory_space<hbm>>
      %dma_wait3A_347 = tpu.memref_slice %arg7[%dma_wait3A_333] : memref<6x!tpu.dma_semaphore, #tpu.memory_space<semaphore_mem>> -> memref<1x!tpu.dma_semaphore, #tpu.memory_space<semaphore_mem>>
      %dma_wait3A_348 = tpu.memref_squeeze %dma_wait3A_347 : memref<1x!tpu.dma_semaphore, #tpu.memory_space<semaphore_mem>> -> memref<!tpu.dma_semaphore, #tpu.memory_space<semaphore_mem>>
      tpu.wait_indirect_dma semaphore(%dma_wait3A_348 : memref<!tpu.dma_semaphore, #tpu.memory_space<semaphore_mem>>) src(%dma_wait3A_346 : memref<262144x128xf32, #tpu.memory_space<hbm>>) dst(%dma_wait3A_340 : memref<128x128xf32, #tpu.memory_space<vmem>>)
      %mul3A_349 = arith.constant 128 : i32
      %mul3A_350 = arith.muli %mul3A_294, %mul3A_349 : i32
      %add3A_351 = arith.addi %mul3A_2, %mul3A_350 : i32
      %dma_start3A_352 = arith.constant 0 : i32
      %dma_start3A_353 = arith.constant 0 : i32
      %dma_start3A_354 = arith.constant 0 : i32
      %dma_start3A_355 = arith.constant 0 : i32
      %dma_start3A_356 = tpu.memref_slice %arg6[%dma_start3A_352, %dma_start3A_354, %dma_start3A_355] : memref<2x384x128xf32, #tpu.memory_space<vmem>> -> memref<1x384x128xf32, #tpu.memory_space<vmem>>
      %dma_start3A_357 = tpu.memref_squeeze %dma_start3A_356 : memref<1x384x128xf32, #tpu.memory_space<vmem>> -> memref<384x128xf32, #tpu.memory_space<vmem>>
      %dma_start3A_358 = arith.constant 0 : i32
      %dma_start3A_359 = tpu.memref_slice %arg4[%add3A_351, %dma_start3A_358] : memref<442368x128xf32, #tpu.memory_space<hbm>> -> memref<384x128xf32, #tpu.memory_space<hbm>>
      %dma_start3A_360 = tpu.memref_slice %arg8[%dma_start3A_353] : memref<2x!tpu.dma_semaphore, #tpu.memory_space<semaphore_mem>> -> memref<1x!tpu.dma_semaphore, #tpu.memory_space<semaphore_mem>>
      %dma_start3A_361 = tpu.memref_squeeze %dma_start3A_360 : memref<1x!tpu.dma_semaphore, #tpu.memory_space<semaphore_mem>> -> memref<!tpu.dma_semaphore, #tpu.memory_space<semaphore_mem>>
      %dma_start3A_362 = arith.constant 0 : i32
      %dma_start3A_363 = tpu.memref_slice %arg4[%add3A_351, %dma_start3A_362] : memref<442368x128xf32, #tpu.memory_space<hbm>> -> memref<384x128xf32, #tpu.memory_space<hbm>>
      %dma_start3A_364 = arith.constant 0 : i32
      %dma_start3A_365 = arith.constant 0 : i32
      %dma_start3A_366 = tpu.memref_slice %arg6[%dma_start3A_352, %dma_start3A_364, %dma_start3A_365] : memref<2x384x128xf32, #tpu.memory_space<vmem>> -> memref<1x384x128xf32, #tpu.memory_space<vmem>>
      %dma_start3A_367 = tpu.memref_squeeze %dma_start3A_366 : memref<1x384x128xf32, #tpu.memory_space<vmem>> -> memref<384x128xf32, #tpu.memory_space<vmem>>
      tpu.enqueue_dma source(%dma_start3A_367 : memref<384x128xf32, #tpu.memory_space<vmem>>) target(%dma_start3A_363 : memref<384x128xf32, #tpu.memory_space<hbm>>) target_semaphore(%dma_start3A_361 : memref<!tpu.dma_semaphore, #tpu.memory_space<semaphore_mem>>)
      %dma_wait3A_368 = arith.constant 0 : i32
      %dma_wait3A_369 = arith.constant 1 : i32
      %dma_wait3A_370 = arith.constant 3 : i32
      %dma_wait3A_371 = arith.constant 0 : i32
      %dma_wait3A_372 = arith.constant 0 : i32
      %dma_wait3A_373 = tpu.memref_slice %arg6[%dma_wait3A_369, %dma_wait3A_371, %dma_wait3A_372] : memref<2x384x128xf32, #tpu.memory_space<vmem>> -> memref<1x384x128xf32, #tpu.memory_space<vmem>>
      %dma_wait3A_374 = tpu.memref_squeeze %dma_wait3A_373 : memref<1x384x128xf32, #tpu.memory_space<vmem>> -> memref<384x128xf32, #tpu.memory_space<vmem>>
      %dma_wait3A_375 = arith.constant 0 : i32
      %dma_wait3A_376 = arith.constant 0 : i32
      %dma_wait3A_377 = tpu.memref_slice %dma_wait3A_374[%dma_wait3A_375, %dma_wait3A_376] : memref<384x128xf32, #tpu.memory_space<vmem>> -> memref<128x128xf32, #tpu.memory_space<vmem>>
      %dma_wait3A_378 = arith.constant 0 : i32
      %dma_wait3A_379 = tpu.memref_slice %arg5[%dma_wait3A_368, %dma_wait3A_378] : memref<108x128xi32, #tpu.memory_space<vmem>> -> memref<1x128xi32, #tpu.memory_space<vmem>>
      %dma_wait3A_380 = tpu.memref_squeeze %dma_wait3A_379 : memref<1x128xi32, #tpu.memory_space<vmem>> -> memref<128xi32, #tpu.memory_space<vmem>>
      %dma_wait3A_381 = arith.constant 0 : i32
      %dma_wait3A_382 = arith.constant 0 : i32
      %dma_wait3A_383 = tpu.memref_slice %arg2[%dma_wait3A_381, %dma_wait3A_382] : memref<262144x128xf32, #tpu.memory_space<hbm>> -> memref<262144x128xf32, #tpu.memory_space<hbm>>
      %dma_wait3A_384 = tpu.memref_slice %arg7[%dma_wait3A_370] : memref<6x!tpu.dma_semaphore, #tpu.memory_space<semaphore_mem>> -> memref<1x!tpu.dma_semaphore, #tpu.memory_space<semaphore_mem>>
      %dma_wait3A_385 = tpu.memref_squeeze %dma_wait3A_384 : memref<1x!tpu.dma_semaphore, #tpu.memory_space<semaphore_mem>> -> memref<!tpu.dma_semaphore, #tpu.memory_space<semaphore_mem>>
      tpu.wait_indirect_dma semaphore(%dma_wait3A_385 : memref<!tpu.dma_semaphore, #tpu.memory_space<semaphore_mem>>) src(%dma_wait3A_383 : memref<262144x128xf32, #tpu.memory_space<hbm>>) dst(%dma_wait3A_377 : memref<128x128xf32, #tpu.memory_space<vmem>>)
      %dma_wait3A_386 = arith.constant 0 : i32
      %dma_wait3A_387 = arith.constant 1 : i32
      %dma_wait3A_388 = arith.constant 4 : i32
      %dma_wait3A_389 = arith.constant 0 : i32
      %dma_wait3A_390 = arith.constant 0 : i32
      %dma_wait3A_391 = tpu.memref_slice %arg6[%dma_wait3A_387, %dma_wait3A_389, %dma_wait3A_390] : memref<2x384x128xf32, #tpu.memory_space<vmem>> -> memref<1x384x128xf32, #tpu.memory_space<vmem>>
      %dma_wait3A_392 = tpu.memref_squeeze %dma_wait3A_391 : memref<1x384x128xf32, #tpu.memory_space<vmem>> -> memref<384x128xf32, #tpu.memory_space<vmem>>
      %dma_wait3A_393 = arith.constant 128 : i32
      %dma_wait3A_394 = arith.constant 0 : i32
      %dma_wait3A_395 = tpu.memref_slice %dma_wait3A_392[%dma_wait3A_393, %dma_wait3A_394] : memref<384x128xf32, #tpu.memory_space<vmem>> -> memref<128x128xf32, #tpu.memory_space<vmem>>
      %dma_wait3A_396 = arith.constant 0 : i32
      %dma_wait3A_397 = tpu.memref_slice %arg5[%dma_wait3A_386, %dma_wait3A_396] : memref<108x128xi32, #tpu.memory_space<vmem>> -> memref<1x128xi32, #tpu.memory_space<vmem>>
      %dma_wait3A_398 = tpu.memref_squeeze %dma_wait3A_397 : memref<1x128xi32, #tpu.memory_space<vmem>> -> memref<128xi32, #tpu.memory_space<vmem>>
      %dma_wait3A_399 = arith.constant 0 : i32
      %dma_wait3A_400 = arith.constant 0 : i32
      %dma_wait3A_401 = tpu.memref_slice %arg2[%dma_wait3A_399, %dma_wait3A_400] : memref<262144x128xf32, #tpu.memory_space<hbm>> -> memref<262144x128xf32, #tpu.memory_space<hbm>>
      %dma_wait3A_402 = tpu.memref_slice %arg7[%dma_wait3A_388] : memref<6x!tpu.dma_semaphore, #tpu.memory_space<semaphore_mem>> -> memref<1x!tpu.dma_semaphore, #tpu.memory_space<semaphore_mem>>
      %dma_wait3A_403 = tpu.memref_squeeze %dma_wait3A_402 : memref<1x!tpu.dma_semaphore, #tpu.memory_space<semaphore_mem>> -> memref<!tpu.dma_semaphore, #tpu.memory_space<semaphore_mem>>
      tpu.wait_indirect_dma semaphore(%dma_wait3A_403 : memref<!tpu.dma_semaphore, #tpu.memory_space<semaphore_mem>>) src(%dma_wait3A_401 : memref<262144x128xf32, #tpu.memory_space<hbm>>) dst(%dma_wait3A_395 : memref<128x128xf32, #tpu.memory_space<vmem>>)
      %dma_wait3A_404 = arith.constant 0 : i32
      %dma_wait3A_405 = arith.constant 1 : i32
      %dma_wait3A_406 = arith.constant 5 : i32
      %dma_wait3A_407 = arith.constant 0 : i32
      %dma_wait3A_408 = arith.constant 0 : i32
      %dma_wait3A_409 = tpu.memref_slice %arg6[%dma_wait3A_405, %dma_wait3A_407, %dma_wait3A_408] : memref<2x384x128xf32, #tpu.memory_space<vmem>> -> memref<1x384x128xf32, #tpu.memory_space<vmem>>
      %dma_wait3A_410 = tpu.memref_squeeze %dma_wait3A_409 : memref<1x384x128xf32, #tpu.memory_space<vmem>> -> memref<384x128xf32, #tpu.memory_space<vmem>>
      %dma_wait3A_411 = arith.constant 256 : i32
      %dma_wait3A_412 = arith.constant 0 : i32
      %dma_wait3A_413 = tpu.memref_slice %dma_wait3A_410[%dma_wait3A_411, %dma_wait3A_412] : memref<384x128xf32, #tpu.memory_space<vmem>> -> memref<128x128xf32, #tpu.memory_space<vmem>>
      %dma_wait3A_414 = arith.constant 0 : i32
      %dma_wait3A_415 = tpu.memref_slice %arg5[%dma_wait3A_404, %dma_wait3A_414] : memref<108x128xi32, #tpu.memory_space<vmem>> -> memref<1x128xi32, #tpu.memory_space<vmem>>
      %dma_wait3A_416 = tpu.memref_squeeze %dma_wait3A_415 : memref<1x128xi32, #tpu.memory_space<vmem>> -> memref<128xi32, #tpu.memory_space<vmem>>
      %dma_wait3A_417 = arith.constant 0 : i32
      %dma_wait3A_418 = arith.constant 0 : i32
      %dma_wait3A_419 = tpu.memref_slice %arg2[%dma_wait3A_417, %dma_wait3A_418] : memref<262144x128xf32, #tpu.memory_space<hbm>> -> memref<262144x128xf32, #tpu.memory_space<hbm>>
      %dma_wait3A_420 = tpu.memref_slice %arg7[%dma_wait3A_406] : memref<6x!tpu.dma_semaphore, #tpu.memory_space<semaphore_mem>> -> memref<1x!tpu.dma_semaphore, #tpu.memory_space<semaphore_mem>>
      %dma_wait3A_421 = tpu.memref_squeeze %dma_wait3A_420 : memref<1x!tpu.dma_semaphore, #tpu.memory_space<semaphore_mem>> -> memref<!tpu.dma_semaphore, #tpu.memory_space<semaphore_mem>>
      tpu.wait_indirect_dma semaphore(%dma_wait3A_421 : memref<!tpu.dma_semaphore, #tpu.memory_space<semaphore_mem>>) src(%dma_wait3A_419 : memref<262144x128xf32, #tpu.memory_space<hbm>>) dst(%dma_wait3A_413 : memref<128x128xf32, #tpu.memory_space<vmem>>)
      %add3A_422 = arith.constant 3 : i32
      %add3A_423 = arith.addi %mul3A_294, %add3A_422 : i32
      %mul3A_424 = arith.constant 128 : i32
      %mul3A_425 = arith.muli %add3A_423, %mul3A_424 : i32
      %add3A_426 = arith.addi %mul3A_2, %mul3A_425 : i32
      %dma_start3A_427 = arith.constant 1 : i32
      %dma_start3A_428 = arith.constant 1 : i32
      %dma_start3A_429 = arith.constant 0 : i32
      %dma_start3A_430 = arith.constant 0 : i32
      %dma_start3A_431 = tpu.memref_slice %arg6[%dma_start3A_427, %dma_start3A_429, %dma_start3A_430] : memref<2x384x128xf32, #tpu.memory_space<vmem>> -> memref<1x384x128xf32, #tpu.memory_space<vmem>>
      %dma_start3A_432 = tpu.memref_squeeze %dma_start3A_431 : memref<1x384x128xf32, #tpu.memory_space<vmem>> -> memref<384x128xf32, #tpu.memory_space<vmem>>
      %dma_start3A_433 = arith.constant 0 : i32
      %dma_start3A_434 = tpu.memref_slice %arg4[%add3A_426, %dma_start3A_433] : memref<442368x128xf32, #tpu.memory_space<hbm>> -> memref<384x128xf32, #tpu.memory_space<hbm>>
      %dma_start3A_435 = tpu.memref_slice %arg8[%dma_start3A_428] : memref<2x!tpu.dma_semaphore, #tpu.memory_space<semaphore_mem>> -> memref<1x!tpu.dma_semaphore, #tpu.memory_space<semaphore_mem>>
      %dma_start3A_436 = tpu.memref_squeeze %dma_start3A_435 : memref<1x!tpu.dma_semaphore, #tpu.memory_space<semaphore_mem>> -> memref<!tpu.dma_semaphore, #tpu.memory_space<semaphore_mem>>
      %dma_start3A_437 = arith.constant 0 : i32
      %dma_start3A_438 = tpu.memref_slice %arg4[%add3A_426, %dma_start3A_437] : memref<442368x128xf32, #tpu.memory_space<hbm>> -> memref<384x128xf32, #tpu.memory_space<hbm>>
      %dma_start3A_439 = arith.constant 0 : i32
      %dma_start3A_440 = arith.constant 0 : i32
      %dma_start3A_441 = tpu.memref_slice %arg6[%dma_start3A_427, %dma_start3A_439, %dma_start3A_440] : memref<2x384x128xf32, #tpu.memory_space<vmem>> -> memref<1x384x128xf32, #tpu.memory_space<vmem>>
      %dma_start3A_442 = tpu.memref_squeeze %dma_start3A_441 : memref<1x384x128xf32, #tpu.memory_space<vmem>> -> memref<384x128xf32, #tpu.memory_space<vmem>>
      tpu.enqueue_dma source(%dma_start3A_442 : memref<384x128xf32, #tpu.memory_space<vmem>>) target(%dma_start3A_438 : memref<384x128xf32, #tpu.memory_space<hbm>>) target_semaphore(%dma_start3A_436 : memref<!tpu.dma_semaphore, #tpu.memory_space<semaphore_mem>>)
      %dma_wait3A_443 = arith.constant 0 : i32
      %dma_wait3A_444 = arith.constant 0 : i32
      %dma_wait3A_445 = arith.constant 0 : i32
      %dma_wait3A_446 = arith.constant 0 : i32
      %dma_wait3A_447 = tpu.memref_slice %arg6[%dma_wait3A_443, %dma_wait3A_445, %dma_wait3A_446] : memref<2x384x128xf32, #tpu.memory_space<vmem>> -> memref<1x384x128xf32, #tpu.memory_space<vmem>>
      %dma_wait3A_448 = tpu.memref_squeeze %dma_wait3A_447 : memref<1x384x128xf32, #tpu.memory_space<vmem>> -> memref<384x128xf32, #tpu.memory_space<vmem>>
      %dma_wait3A_449 = arith.constant 0 : i32
      %dma_wait3A_450 = tpu.memref_slice %arg4[%mul3A_2, %dma_wait3A_449] : memref<442368x128xf32, #tpu.memory_space<hbm>> -> memref<384x128xf32, #tpu.memory_space<hbm>>
      %dma_wait3A_451 = tpu.memref_slice %arg8[%dma_wait3A_444] : memref<2x!tpu.dma_semaphore, #tpu.memory_space<semaphore_mem>> -> memref<1x!tpu.dma_semaphore, #tpu.memory_space<semaphore_mem>>
      %dma_wait3A_452 = tpu.memref_squeeze %dma_wait3A_451 : memref<1x!tpu.dma_semaphore, #tpu.memory_space<semaphore_mem>> -> memref<!tpu.dma_semaphore, #tpu.memory_space<semaphore_mem>>
      %dma_wait3A_453 = arith.constant 0 : i32
      %dma_wait3A_454 = tpu.memref_slice %arg4[%mul3A_2, %dma_wait3A_453] : memref<442368x128xf32, #tpu.memory_space<hbm>> -> memref<384x128xf32, #tpu.memory_space<hbm>>
      %dma_wait3A_455 = arith.constant 0 : i32
      %dma_wait3A_456 = arith.constant 0 : i32
      %dma_wait3A_457 = tpu.memref_slice %arg6[%dma_wait3A_443, %dma_wait3A_455, %dma_wait3A_456] : memref<2x384x128xf32, #tpu.memory_space<vmem>> -> memref<1x384x128xf32, #tpu.memory_space<vmem>>
      %dma_wait3A_458 = tpu.memref_squeeze %dma_wait3A_457 : memref<1x384x128xf32, #tpu.memory_space<vmem>> -> memref<384x128xf32, #tpu.memory_space<vmem>>
      tpu.wait_dma2 semaphore(%dma_wait3A_452 : memref<!tpu.dma_semaphore, #tpu.memory_space<semaphore_mem>>) src(%dma_wait3A_458 : memref<384x128xf32, #tpu.memory_space<vmem>>) dst(%dma_wait3A_454 : memref<384x128xf32, #tpu.memory_space<hbm>>)
      %add3A_459 = arith.constant 6 : i32
      %add3A_460 = arith.addi %mul3A_294, %add3A_459 : i32
      %add3A_461 = arith.constant 0 : i32
      %add3A_462 = arith.addi %add3A_460, %add3A_461 : i32
      %dma_start3A_463 = arith.constant 0 : i32
      %dma_start3A_464 = arith.constant 0 : i32
      %dma_start3A_465 = arith.constant 0 : i32
      %dma_start3A_466 = arith.constant 0 : i32
      %dma_start3A_467 = tpu.memref_slice %arg6[%dma_start3A_463, %dma_start3A_465, %dma_start3A_466] : memref<2x384x128xf32, #tpu.memory_space<vmem>> -> memref<1x384x128xf32, #tpu.memory_space<vmem>>
      %dma_start3A_468 = tpu.memref_squeeze %dma_start3A_467 : memref<1x384x128xf32, #tpu.memory_space<vmem>> -> memref<384x128xf32, #tpu.memory_space<vmem>>
      %dma_start3A_469 = arith.constant 0 : i32
      %dma_start3A_470 = arith.constant 0 : i32
      %dma_start3A_471 = tpu.memref_slice %dma_start3A_468[%dma_start3A_469, %dma_start3A_470] : memref<384x128xf32, #tpu.memory_space<vmem>> -> memref<128x128xf32, #tpu.memory_space<vmem>>
      %dma_start3A_472 = arith.constant 0 : i32
      %dma_start3A_473 = tpu.memref_slice %arg5[%add3A_462, %dma_start3A_472] : memref<108x128xi32, #tpu.memory_space<vmem>> -> memref<1x128xi32, #tpu.memory_space<vmem>>
      %dma_start3A_474 = tpu.memref_squeeze %dma_start3A_473 : memref<1x128xi32, #tpu.memory_space<vmem>> -> memref<128xi32, #tpu.memory_space<vmem>>
      %dma_start3A_475 = arith.constant 0 : i32
      %dma_start3A_476 = arith.constant 0 : i32
      %dma_start3A_477 = tpu.memref_slice %arg2[%dma_start3A_475, %dma_start3A_476] : memref<262144x128xf32, #tpu.memory_space<hbm>> -> memref<262144x128xf32, #tpu.memory_space<hbm>>
      %dma_start3A_478 = tpu.memref_slice %arg7[%dma_start3A_464] : memref<6x!tpu.dma_semaphore, #tpu.memory_space<semaphore_mem>> -> memref<1x!tpu.dma_semaphore, #tpu.memory_space<semaphore_mem>>
      %dma_start3A_479 = tpu.memref_squeeze %dma_start3A_478 : memref<1x!tpu.dma_semaphore, #tpu.memory_space<semaphore_mem>> -> memref<!tpu.dma_semaphore, #tpu.memory_space<semaphore_mem>>
      tpu.enqueue_indirect_dma source(%dma_start3A_477 : memref<262144x128xf32, #tpu.memory_space<hbm>>) target(%dma_start3A_471 : memref<128x128xf32, #tpu.memory_space<vmem>>) offsets(%dma_start3A_474 : memref<128xi32, #tpu.memory_space<vmem>>) semaphore(%dma_start3A_479 : memref<!tpu.dma_semaphore, #tpu.memory_space<semaphore_mem>>)
      %add3A_480 = arith.constant 6 : i32
      %add3A_481 = arith.addi %mul3A_294, %add3A_480 : i32
      %add3A_482 = arith.constant 1 : i32
      %add3A_483 = arith.addi %add3A_481, %add3A_482 : i32
      %dma_start3A_484 = arith.constant 0 : i32
      %dma_start3A_485 = arith.constant 1 : i32
      %dma_start3A_486 = arith.constant 0 : i32
      %dma_start3A_487 = arith.constant 0 : i32
      %dma_start3A_488 = tpu.memref_slice %arg6[%dma_start3A_484, %dma_start3A_486, %dma_start3A_487] : memref<2x384x128xf32, #tpu.memory_space<vmem>> -> memref<1x384x128xf32, #tpu.memory_space<vmem>>
      %dma_start3A_489 = tpu.memref_squeeze %dma_start3A_488 : memref<1x384x128xf32, #tpu.memory_space<vmem>> -> memref<384x128xf32, #tpu.memory_space<vmem>>
      %dma_start3A_490 = arith.constant 128 : i32
      %dma_start3A_491 = arith.constant 0 : i32
      %dma_start3A_492 = tpu.memref_slice %dma_start3A_489[%dma_start3A_490, %dma_start3A_491] : memref<384x128xf32, #tpu.memory_space<vmem>> -> memref<128x128xf32, #tpu.memory_space<vmem>>
      %dma_start3A_493 = arith.constant 0 : i32
      %dma_start3A_494 = tpu.memref_slice %arg5[%add3A_483, %dma_start3A_493] : memref<108x128xi32, #tpu.memory_space<vmem>> -> memref<1x128xi32, #tpu.memory_space<vmem>>
      %dma_start3A_495 = tpu.memref_squeeze %dma_start3A_494 : memref<1x128xi32, #tpu.memory_space<vmem>> -> memref<128xi32, #tpu.memory_space<vmem>>
      %dma_start3A_496 = arith.constant 0 : i32
      %dma_start3A_497 = arith.constant 0 : i32
      %dma_start3A_498 = tpu.memref_slice %arg2[%dma_start3A_496, %dma_start3A_497] : memref<262144x128xf32, #tpu.memory_space<hbm>> -> memref<262144x128xf32, #tpu.memory_space<hbm>>
      %dma_start3A_499 = tpu.memref_slice %arg7[%dma_start3A_485] : memref<6x!tpu.dma_semaphore, #tpu.memory_space<semaphore_mem>> -> memref<1x!tpu.dma_semaphore, #tpu.memory_space<semaphore_mem>>
      %dma_start3A_500 = tpu.memref_squeeze %dma_start3A_499 : memref<1x!tpu.dma_semaphore, #tpu.memory_space<semaphore_mem>> -> memref<!tpu.dma_semaphore, #tpu.memory_space<semaphore_mem>>
      tpu.enqueue_indirect_dma source(%dma_start3A_498 : memref<262144x128xf32, #tpu.memory_space<hbm>>) target(%dma_start3A_492 : memref<128x128xf32, #tpu.memory_space<vmem>>) offsets(%dma_start3A_495 : memref<128xi32, #tpu.memory_space<vmem>>) semaphore(%dma_start3A_500 : memref<!tpu.dma_semaphore, #tpu.memory_space<semaphore_mem>>)
      %add3A_501 = arith.constant 6 : i32
      %add3A_502 = arith.addi %mul3A_294, %add3A_501 : i32
      %add3A_503 = arith.constant 2 : i32
      %add3A_504 = arith.addi %add3A_502, %add3A_503 : i32
      %dma_start3A_505 = arith.constant 0 : i32
      %dma_start3A_506 = arith.constant 2 : i32
      %dma_start3A_507 = arith.constant 0 : i32
      %dma_start3A_508 = arith.constant 0 : i32
      %dma_start3A_509 = tpu.memref_slice %arg6[%dma_start3A_505, %dma_start3A_507, %dma_start3A_508] : memref<2x384x128xf32, #tpu.memory_space<vmem>> -> memref<1x384x128xf32, #tpu.memory_space<vmem>>
      %dma_start3A_510 = tpu.memref_squeeze %dma_start3A_509 : memref<1x384x128xf32, #tpu.memory_space<vmem>> -> memref<384x128xf32, #tpu.memory_space<vmem>>
      %dma_start3A_511 = arith.constant 256 : i32
      %dma_start3A_512 = arith.constant 0 : i32
      %dma_start3A_513 = tpu.memref_slice %dma_start3A_510[%dma_start3A_511, %dma_start3A_512] : memref<384x128xf32, #tpu.memory_space<vmem>> -> memref<128x128xf32, #tpu.memory_space<vmem>>
      %dma_start3A_514 = arith.constant 0 : i32
      %dma_start3A_515 = tpu.memref_slice %arg5[%add3A_504, %dma_start3A_514] : memref<108x128xi32, #tpu.memory_space<vmem>> -> memref<1x128xi32, #tpu.memory_space<vmem>>
      %dma_start3A_516 = tpu.memref_squeeze %dma_start3A_515 : memref<1x128xi32, #tpu.memory_space<vmem>> -> memref<128xi32, #tpu.memory_space<vmem>>
      %dma_start3A_517 = arith.constant 0 : i32
      %dma_start3A_518 = arith.constant 0 : i32
      %dma_start3A_519 = tpu.memref_slice %arg2[%dma_start3A_517, %dma_start3A_518] : memref<262144x128xf32, #tpu.memory_space<hbm>> -> memref<262144x128xf32, #tpu.memory_space<hbm>>
      %dma_start3A_520 = tpu.memref_slice %arg7[%dma_start3A_506] : memref<6x!tpu.dma_semaphore, #tpu.memory_space<semaphore_mem>> -> memref<1x!tpu.dma_semaphore, #tpu.memory_space<semaphore_mem>>
      %dma_start3A_521 = tpu.memref_squeeze %dma_start3A_520 : memref<1x!tpu.dma_semaphore, #tpu.memory_space<semaphore_mem>> -> memref<!tpu.dma_semaphore, #tpu.memory_space<semaphore_mem>>
      tpu.enqueue_indirect_dma source(%dma_start3A_519 : memref<262144x128xf32, #tpu.memory_space<hbm>>) target(%dma_start3A_513 : memref<128x128xf32, #tpu.memory_space<vmem>>) offsets(%dma_start3A_516 : memref<128xi32, #tpu.memory_space<vmem>>) semaphore(%dma_start3A_521 : memref<!tpu.dma_semaphore, #tpu.memory_space<semaphore_mem>>)
      %dma_wait3A_522 = arith.constant 1 : i32
      %dma_wait3A_523 = arith.constant 1 : i32
      %dma_wait3A_524 = arith.constant 0 : i32
      %dma_wait3A_525 = arith.constant 0 : i32
      %dma_wait3A_526 = tpu.memref_slice %arg6[%dma_wait3A_522, %dma_wait3A_524, %dma_wait3A_525] : memref<2x384x128xf32, #tpu.memory_space<vmem>> -> memref<1x384x128xf32, #tpu.memory_space<vmem>>
      %dma_wait3A_527 = tpu.memref_squeeze %dma_wait3A_526 : memref<1x384x128xf32, #tpu.memory_space<vmem>> -> memref<384x128xf32, #tpu.memory_space<vmem>>
      %dma_wait3A_528 = arith.constant 0 : i32
      %dma_wait3A_529 = tpu.memref_slice %arg4[%mul3A_2, %dma_wait3A_528] : memref<442368x128xf32, #tpu.memory_space<hbm>> -> memref<384x128xf32, #tpu.memory_space<hbm>>
      %dma_wait3A_530 = tpu.memref_slice %arg8[%dma_wait3A_523] : memref<2x!tpu.dma_semaphore, #tpu.memory_space<semaphore_mem>> -> memref<1x!tpu.dma_semaphore, #tpu.memory_space<semaphore_mem>>
      %dma_wait3A_531 = tpu.memref_squeeze %dma_wait3A_530 : memref<1x!tpu.dma_semaphore, #tpu.memory_space<semaphore_mem>> -> memref<!tpu.dma_semaphore, #tpu.memory_space<semaphore_mem>>
      %dma_wait3A_532 = arith.constant 0 : i32
      %dma_wait3A_533 = tpu.memref_slice %arg4[%mul3A_2, %dma_wait3A_532] : memref<442368x128xf32, #tpu.memory_space<hbm>> -> memref<384x128xf32, #tpu.memory_space<hbm>>
      %dma_wait3A_534 = arith.constant 0 : i32
      %dma_wait3A_535 = arith.constant 0 : i32
      %dma_wait3A_536 = tpu.memref_slice %arg6[%dma_wait3A_522, %dma_wait3A_534, %dma_wait3A_535] : memref<2x384x128xf32, #tpu.memory_space<vmem>> -> memref<1x384x128xf32, #tpu.memory_space<vmem>>
      %dma_wait3A_537 = tpu.memref_squeeze %dma_wait3A_536 : memref<1x384x128xf32, #tpu.memory_space<vmem>> -> memref<384x128xf32, #tpu.memory_space<vmem>>
      tpu.wait_dma2 semaphore(%dma_wait3A_531 : memref<!tpu.dma_semaphore, #tpu.memory_space<semaphore_mem>>) src(%dma_wait3A_537 : memref<384x128xf32, #tpu.memory_space<vmem>>) dst(%dma_wait3A_533 : memref<384x128xf32, #tpu.memory_space<hbm>>)
      %add3A_538 = arith.constant 9 : i32
      %add3A_539 = arith.addi %mul3A_294, %add3A_538 : i32
      %add3A_540 = arith.constant 0 : i32
      %add3A_541 = arith.addi %add3A_539, %add3A_540 : i32
      %dma_start3A_542 = arith.constant 1 : i32
      %dma_start3A_543 = arith.constant 3 : i32
      %dma_start3A_544 = arith.constant 0 : i32
      %dma_start3A_545 = arith.constant 0 : i32
      %dma_start3A_546 = tpu.memref_slice %arg6[%dma_start3A_542, %dma_start3A_544, %dma_start3A_545] : memref<2x384x128xf32, #tpu.memory_space<vmem>> -> memref<1x384x128xf32, #tpu.memory_space<vmem>>
      %dma_start3A_547 = tpu.memref_squeeze %dma_start3A_546 : memref<1x384x128xf32, #tpu.memory_space<vmem>> -> memref<384x128xf32, #tpu.memory_space<vmem>>
      %dma_start3A_548 = arith.constant 0 : i32
      %dma_start3A_549 = arith.constant 0 : i32
      %dma_start3A_550 = tpu.memref_slice %dma_start3A_547[%dma_start3A_548, %dma_start3A_549] : memref<384x128xf32, #tpu.memory_space<vmem>> -> memref<128x128xf32, #tpu.memory_space<vmem>>
      %dma_start3A_551 = arith.constant 0 : i32
      %dma_start3A_552 = tpu.memref_slice %arg5[%add3A_541, %dma_start3A_551] : memref<108x128xi32, #tpu.memory_space<vmem>> -> memref<1x128xi32, #tpu.memory_space<vmem>>
      %dma_start3A_553 = tpu.memref_squeeze %dma_start3A_552 : memref<1x128xi32, #tpu.memory_space<vmem>> -> memref<128xi32, #tpu.memory_space<vmem>>
      %dma_start3A_554 = arith.constant 0 : i32
      %dma_start3A_555 = arith.constant 0 : i32
      %dma_start3A_556 = tpu.memref_slice %arg2[%dma_start3A_554, %dma_start3A_555] : memref<262144x128xf32, #tpu.memory_space<hbm>> -> memref<262144x128xf32, #tpu.memory_space<hbm>>
      %dma_start3A_557 = tpu.memref_slice %arg7[%dma_start3A_543] : memref<6x!tpu.dma_semaphore, #tpu.memory_space<semaphore_mem>> -> memref<1x!tpu.dma_semaphore, #tpu.memory_space<semaphore_mem>>
      %dma_start3A_558 = tpu.memref_squeeze %dma_start3A_557 : memref<1x!tpu.dma_semaphore, #tpu.memory_space<semaphore_mem>> -> memref<!tpu.dma_semaphore, #tpu.memory_space<semaphore_mem>>
      tpu.enqueue_indirect_dma source(%dma_start3A_556 : memref<262144x128xf32, #tpu.memory_space<hbm>>) target(%dma_start3A_550 : memref<128x128xf32, #tpu.memory_space<vmem>>) offsets(%dma_start3A_553 : memref<128xi32, #tpu.memory_space<vmem>>) semaphore(%dma_start3A_558 : memref<!tpu.dma_semaphore, #tpu.memory_space<semaphore_mem>>)
      %add3A_559 = arith.constant 9 : i32
      %add3A_560 = arith.addi %mul3A_294, %add3A_559 : i32
      %add3A_561 = arith.constant 1 : i32
      %add3A_562 = arith.addi %add3A_560, %add3A_561 : i32
      %dma_start3A_563 = arith.constant 1 : i32
      %dma_start3A_564 = arith.constant 4 : i32
      %dma_start3A_565 = arith.constant 0 : i32
      %dma_start3A_566 = arith.constant 0 : i32
      %dma_start3A_567 = tpu.memref_slice %arg6[%dma_start3A_563, %dma_start3A_565, %dma_start3A_566] : memref<2x384x128xf32, #tpu.memory_space<vmem>> -> memref<1x384x128xf32, #tpu.memory_space<vmem>>
      %dma_start3A_568 = tpu.memref_squeeze %dma_start3A_567 : memref<1x384x128xf32, #tpu.memory_space<vmem>> -> memref<384x128xf32, #tpu.memory_space<vmem>>
      %dma_start3A_569 = arith.constant 128 : i32
      %dma_start3A_570 = arith.constant 0 : i32
      %dma_start3A_571 = tpu.memref_slice %dma_start3A_568[%dma_start3A_569, %dma_start3A_570] : memref<384x128xf32, #tpu.memory_space<vmem>> -> memref<128x128xf32, #tpu.memory_space<vmem>>
      %dma_start3A_572 = arith.constant 0 : i32
      %dma_start3A_573 = tpu.memref_slice %arg5[%add3A_562, %dma_start3A_572] : memref<108x128xi32, #tpu.memory_space<vmem>> -> memref<1x128xi32, #tpu.memory_space<vmem>>
      %dma_start3A_574 = tpu.memref_squeeze %dma_start3A_573 : memref<1x128xi32, #tpu.memory_space<vmem>> -> memref<128xi32, #tpu.memory_space<vmem>>
      %dma_start3A_575 = arith.constant 0 : i32
      %dma_start3A_576 = arith.constant 0 : i32
      %dma_start3A_577 = tpu.memref_slice %arg2[%dma_start3A_575, %dma_start3A_576] : memref<262144x128xf32, #tpu.memory_space<hbm>> -> memref<262144x128xf32, #tpu.memory_space<hbm>>
      %dma_start3A_578 = tpu.memref_slice %arg7[%dma_start3A_564] : memref<6x!tpu.dma_semaphore, #tpu.memory_space<semaphore_mem>> -> memref<1x!tpu.dma_semaphore, #tpu.memory_space<semaphore_mem>>
      %dma_start3A_579 = tpu.memref_squeeze %dma_start3A_578 : memref<1x!tpu.dma_semaphore, #tpu.memory_space<semaphore_mem>> -> memref<!tpu.dma_semaphore, #tpu.memory_space<semaphore_mem>>
      tpu.enqueue_indirect_dma source(%dma_start3A_577 : memref<262144x128xf32, #tpu.memory_space<hbm>>) target(%dma_start3A_571 : memref<128x128xf32, #tpu.memory_space<vmem>>) offsets(%dma_start3A_574 : memref<128xi32, #tpu.memory_space<vmem>>) semaphore(%dma_start3A_579 : memref<!tpu.dma_semaphore, #tpu.memory_space<semaphore_mem>>)
      %add3A_580 = arith.constant 9 : i32
      %add3A_581 = arith.addi %mul3A_294, %add3A_580 : i32
      %add3A_582 = arith.constant 2 : i32
      %add3A_583 = arith.addi %add3A_581, %add3A_582 : i32
      %dma_start3A_584 = arith.constant 1 : i32
      %dma_start3A_585 = arith.constant 5 : i32
      %dma_start3A_586 = arith.constant 0 : i32
      %dma_start3A_587 = arith.constant 0 : i32
      %dma_start3A_588 = tpu.memref_slice %arg6[%dma_start3A_584, %dma_start3A_586, %dma_start3A_587] : memref<2x384x128xf32, #tpu.memory_space<vmem>> -> memref<1x384x128xf32, #tpu.memory_space<vmem>>
      %dma_start3A_589 = tpu.memref_squeeze %dma_start3A_588 : memref<1x384x128xf32, #tpu.memory_space<vmem>> -> memref<384x128xf32, #tpu.memory_space<vmem>>
      %dma_start3A_590 = arith.constant 256 : i32
      %dma_start3A_591 = arith.constant 0 : i32
      %dma_start3A_592 = tpu.memref_slice %dma_start3A_589[%dma_start3A_590, %dma_start3A_591] : memref<384x128xf32, #tpu.memory_space<vmem>> -> memref<128x128xf32, #tpu.memory_space<vmem>>
      %dma_start3A_593 = arith.constant 0 : i32
      %dma_start3A_594 = tpu.memref_slice %arg5[%add3A_583, %dma_start3A_593] : memref<108x128xi32, #tpu.memory_space<vmem>> -> memref<1x128xi32, #tpu.memory_space<vmem>>
      %dma_start3A_595 = tpu.memref_squeeze %dma_start3A_594 : memref<1x128xi32, #tpu.memory_space<vmem>> -> memref<128xi32, #tpu.memory_space<vmem>>
      %dma_start3A_596 = arith.constant 0 : i32
      %dma_start3A_597 = arith.constant 0 : i32
      %dma_start3A_598 = tpu.memref_slice %arg2[%dma_start3A_596, %dma_start3A_597] : memref<262144x128xf32, #tpu.memory_space<hbm>> -> memref<262144x128xf32, #tpu.memory_space<hbm>>
      %dma_start3A_599 = tpu.memref_slice %arg7[%dma_start3A_585] : memref<6x!tpu.dma_semaphore, #tpu.memory_space<semaphore_mem>> -> memref<1x!tpu.dma_semaphore, #tpu.memory_space<semaphore_mem>>
      %dma_start3A_600 = tpu.memref_squeeze %dma_start3A_599 : memref<1x!tpu.dma_semaphore, #tpu.memory_space<semaphore_mem>> -> memref<!tpu.dma_semaphore, #tpu.memory_space<semaphore_mem>>
      tpu.enqueue_indirect_dma source(%dma_start3A_598 : memref<262144x128xf32, #tpu.memory_space<hbm>>) target(%dma_start3A_592 : memref<128x128xf32, #tpu.memory_space<vmem>>) offsets(%dma_start3A_595 : memref<128xi32, #tpu.memory_space<vmem>>) semaphore(%dma_start3A_600 : memref<!tpu.dma_semaphore, #tpu.memory_space<semaphore_mem>>)
    }
    %scan3A_114 = arith.constant 17 : i32
    %dma_wait3A = arith.constant 0 : i32
    %dma_wait3A_115 = arith.constant 0 : i32
    %dma_wait3A_116 = arith.constant 0 : i32
    %dma_wait3A_117 = arith.constant 0 : i32
    %dma_wait3A_118 = arith.constant 0 : i32
    %dma_wait3A_119 = tpu.memref_slice %arg6[%dma_wait3A_115, %dma_wait3A_117, %dma_wait3A_118] : memref<2x384x128xf32, #tpu.memory_space<vmem>> -> memref<1x384x128xf32, #tpu.memory_space<vmem>>
    %dma_wait3A_120 = tpu.memref_squeeze %dma_wait3A_119 : memref<1x384x128xf32, #tpu.memory_space<vmem>> -> memref<384x128xf32, #tpu.memory_space<vmem>>
    %dma_wait3A_121 = arith.constant 0 : i32
    %dma_wait3A_122 = arith.constant 0 : i32
    %dma_wait3A_123 = tpu.memref_slice %dma_wait3A_120[%dma_wait3A_121, %dma_wait3A_122] : memref<384x128xf32, #tpu.memory_space<vmem>> -> memref<128x128xf32, #tpu.memory_space<vmem>>
    %dma_wait3A_124 = arith.constant 0 : i32
    %dma_wait3A_125 = tpu.memref_slice %arg5[%dma_wait3A, %dma_wait3A_124] : memref<108x128xi32, #tpu.memory_space<vmem>> -> memref<1x128xi32, #tpu.memory_space<vmem>>
    %dma_wait3A_126 = tpu.memref_squeeze %dma_wait3A_125 : memref<1x128xi32, #tpu.memory_space<vmem>> -> memref<128xi32, #tpu.memory_space<vmem>>
    %dma_wait3A_127 = arith.constant 0 : i32
    %dma_wait3A_128 = arith.constant 0 : i32
    %dma_wait3A_129 = tpu.memref_slice %arg2[%dma_wait3A_127, %dma_wait3A_128] : memref<262144x128xf32, #tpu.memory_space<hbm>> -> memref<262144x128xf32, #tpu.memory_space<hbm>>
    %dma_wait3A_130 = tpu.memref_slice %arg7[%dma_wait3A_116] : memref<6x!tpu.dma_semaphore, #tpu.memory_space<semaphore_mem>> -> memref<1x!tpu.dma_semaphore, #tpu.memory_space<semaphore_mem>>
    %dma_wait3A_131 = tpu.memref_squeeze %dma_wait3A_130 : memref<1x!tpu.dma_semaphore, #tpu.memory_space<semaphore_mem>> -> memref<!tpu.dma_semaphore, #tpu.memory_space<semaphore_mem>>
    tpu.wait_indirect_dma semaphore(%dma_wait3A_131 : memref<!tpu.dma_semaphore, #tpu.memory_space<semaphore_mem>>) src(%dma_wait3A_129 : memref<262144x128xf32, #tpu.memory_space<hbm>>) dst(%dma_wait3A_123 : memref<128x128xf32, #tpu.memory_space<vmem>>)
    %dma_wait3A_132 = arith.constant 0 : i32
    %dma_wait3A_133 = arith.constant 0 : i32
    %dma_wait3A_134 = arith.constant 1 : i32
    %dma_wait3A_135 = arith.constant 0 : i32
    %dma_wait3A_136 = arith.constant 0 : i32
    %dma_wait3A_137 = tpu.memref_slice %arg6[%dma_wait3A_133, %dma_wait3A_135, %dma_wait3A_136] : memref<2x384x128xf32, #tpu.memory_space<vmem>> -> memref<1x384x128xf32, #tpu.memory_space<vmem>>
    %dma_wait3A_138 = tpu.memref_squeeze %dma_wait3A_137 : memref<1x384x128xf32, #tpu.memory_space<vmem>> -> memref<384x128xf32, #tpu.memory_space<vmem>>
    %dma_wait3A_139 = arith.constant 128 : i32
    %dma_wait3A_140 = arith.constant 0 : i32
    %dma_wait3A_141 = tpu.memref_slice %dma_wait3A_138[%dma_wait3A_139, %dma_wait3A_140] : memref<384x128xf32, #tpu.memory_space<vmem>> -> memref<128x128xf32, #tpu.memory_space<vmem>>
    %dma_wait3A_142 = arith.constant 0 : i32
    %dma_wait3A_143 = tpu.memref_slice %arg5[%dma_wait3A_132, %dma_wait3A_142] : memref<108x128xi32, #tpu.memory_space<vmem>> -> memref<1x128xi32, #tpu.memory_space<vmem>>
    %dma_wait3A_144 = tpu.memref_squeeze %dma_wait3A_143 : memref<1x128xi32, #tpu.memory_space<vmem>> -> memref<128xi32, #tpu.memory_space<vmem>>
    %dma_wait3A_145 = arith.constant 0 : i32
    %dma_wait3A_146 = arith.constant 0 : i32
    %dma_wait3A_147 = tpu.memref_slice %arg2[%dma_wait3A_145, %dma_wait3A_146] : memref<262144x128xf32, #tpu.memory_space<hbm>> -> memref<262144x128xf32, #tpu.memory_space<hbm>>
    %dma_wait3A_148 = tpu.memref_slice %arg7[%dma_wait3A_134] : memref<6x!tpu.dma_semaphore, #tpu.memory_space<semaphore_mem>> -> memref<1x!tpu.dma_semaphore, #tpu.memory_space<semaphore_mem>>
    %dma_wait3A_149 = tpu.memref_squeeze %dma_wait3A_148 : memref<1x!tpu.dma_semaphore, #tpu.memory_space<semaphore_mem>> -> memref<!tpu.dma_semaphore, #tpu.memory_space<semaphore_mem>>
    tpu.wait_indirect_dma semaphore(%dma_wait3A_149 : memref<!tpu.dma_semaphore, #tpu.memory_space<semaphore_mem>>) src(%dma_wait3A_147 : memref<262144x128xf32, #tpu.memory_space<hbm>>) dst(%dma_wait3A_141 : memref<128x128xf32, #tpu.memory_space<vmem>>)
    %dma_wait3A_150 = arith.constant 0 : i32
    %dma_wait3A_151 = arith.constant 0 : i32
    %dma_wait3A_152 = arith.constant 2 : i32
    %dma_wait3A_153 = arith.constant 0 : i32
    %dma_wait3A_154 = arith.constant 0 : i32
    %dma_wait3A_155 = tpu.memref_slice %arg6[%dma_wait3A_151, %dma_wait3A_153, %dma_wait3A_154] : memref<2x384x128xf32, #tpu.memory_space<vmem>> -> memref<1x384x128xf32, #tpu.memory_space<vmem>>
    %dma_wait3A_156 = tpu.memref_squeeze %dma_wait3A_155 : memref<1x384x128xf32, #tpu.memory_space<vmem>> -> memref<384x128xf32, #tpu.memory_space<vmem>>
    %dma_wait3A_157 = arith.constant 256 : i32
    %dma_wait3A_158 = arith.constant 0 : i32
    %dma_wait3A_159 = tpu.memref_slice %dma_wait3A_156[%dma_wait3A_157, %dma_wait3A_158] : memref<384x128xf32, #tpu.memory_space<vmem>> -> memref<128x128xf32, #tpu.memory_space<vmem>>
    %dma_wait3A_160 = arith.constant 0 : i32
    %dma_wait3A_161 = tpu.memref_slice %arg5[%dma_wait3A_150, %dma_wait3A_160] : memref<108x128xi32, #tpu.memory_space<vmem>> -> memref<1x128xi32, #tpu.memory_space<vmem>>
    %dma_wait3A_162 = tpu.memref_squeeze %dma_wait3A_161 : memref<1x128xi32, #tpu.memory_space<vmem>> -> memref<128xi32, #tpu.memory_space<vmem>>
    %dma_wait3A_163 = arith.constant 0 : i32
    %dma_wait3A_164 = arith.constant 0 : i32
    %dma_wait3A_165 = tpu.memref_slice %arg2[%dma_wait3A_163, %dma_wait3A_164] : memref<262144x128xf32, #tpu.memory_space<hbm>> -> memref<262144x128xf32, #tpu.memory_space<hbm>>
    %dma_wait3A_166 = tpu.memref_slice %arg7[%dma_wait3A_152] : memref<6x!tpu.dma_semaphore, #tpu.memory_space<semaphore_mem>> -> memref<1x!tpu.dma_semaphore, #tpu.memory_space<semaphore_mem>>
    %dma_wait3A_167 = tpu.memref_squeeze %dma_wait3A_166 : memref<1x!tpu.dma_semaphore, #tpu.memory_space<semaphore_mem>> -> memref<!tpu.dma_semaphore, #tpu.memory_space<semaphore_mem>>
    tpu.wait_indirect_dma semaphore(%dma_wait3A_167 : memref<!tpu.dma_semaphore, #tpu.memory_space<semaphore_mem>>) src(%dma_wait3A_165 : memref<262144x128xf32, #tpu.memory_space<hbm>>) dst(%dma_wait3A_159 : memref<128x128xf32, #tpu.memory_space<vmem>>)
    %add3A_168 = arith.constant 13056 : i32
    %add3A_169 = arith.addi %mul3A_2, %add3A_168 : i32
    %dma_start3A_170 = arith.constant 0 : i32
    %dma_start3A_171 = arith.constant 0 : i32
    %dma_start3A_172 = arith.constant 0 : i32
    %dma_start3A_173 = arith.constant 0 : i32
    %dma_start3A_174 = tpu.memref_slice %arg6[%dma_start3A_170, %dma_start3A_172, %dma_start3A_173] : memref<2x384x128xf32, #tpu.memory_space<vmem>> -> memref<1x384x128xf32, #tpu.memory_space<vmem>>
    %dma_start3A_175 = tpu.memref_squeeze %dma_start3A_174 : memref<1x384x128xf32, #tpu.memory_space<vmem>> -> memref<384x128xf32, #tpu.memory_space<vmem>>
    %dma_start3A_176 = arith.constant 0 : i32
    %dma_start3A_177 = tpu.memref_slice %arg4[%add3A_169, %dma_start3A_176] : memref<442368x128xf32, #tpu.memory_space<hbm>> -> memref<384x128xf32, #tpu.memory_space<hbm>>
    %dma_start3A_178 = tpu.memref_slice %arg8[%dma_start3A_171] : memref<2x!tpu.dma_semaphore, #tpu.memory_space<semaphore_mem>> -> memref<1x!tpu.dma_semaphore, #tpu.memory_space<semaphore_mem>>
    %dma_start3A_179 = tpu.memref_squeeze %dma_start3A_178 : memref<1x!tpu.dma_semaphore, #tpu.memory_space<semaphore_mem>> -> memref<!tpu.dma_semaphore, #tpu.memory_space<semaphore_mem>>
    %dma_start3A_180 = arith.constant 0 : i32
    %dma_start3A_181 = tpu.memref_slice %arg4[%add3A_169, %dma_start3A_180] : memref<442368x128xf32, #tpu.memory_space<hbm>> -> memref<384x128xf32, #tpu.memory_space<hbm>>
    %dma_start3A_182 = arith.constant 0 : i32
    %dma_start3A_183 = arith.constant 0 : i32
    %dma_start3A_184 = tpu.memref_slice %arg6[%dma_start3A_170, %dma_start3A_182, %dma_start3A_183] : memref<2x384x128xf32, #tpu.memory_space<vmem>> -> memref<1x384x128xf32, #tpu.memory_space<vmem>>
    %dma_start3A_185 = tpu.memref_squeeze %dma_start3A_184 : memref<1x384x128xf32, #tpu.memory_space<vmem>> -> memref<384x128xf32, #tpu.memory_space<vmem>>
    tpu.enqueue_dma source(%dma_start3A_185 : memref<384x128xf32, #tpu.memory_space<vmem>>) target(%dma_start3A_181 : memref<384x128xf32, #tpu.memory_space<hbm>>) target_semaphore(%dma_start3A_179 : memref<!tpu.dma_semaphore, #tpu.memory_space<semaphore_mem>>)
    %dma_wait3A_186 = arith.constant 0 : i32
    %dma_wait3A_187 = arith.constant 1 : i32
    %dma_wait3A_188 = arith.constant 3 : i32
    %dma_wait3A_189 = arith.constant 0 : i32
    %dma_wait3A_190 = arith.constant 0 : i32
    %dma_wait3A_191 = tpu.memref_slice %arg6[%dma_wait3A_187, %dma_wait3A_189, %dma_wait3A_190] : memref<2x384x128xf32, #tpu.memory_space<vmem>> -> memref<1x384x128xf32, #tpu.memory_space<vmem>>
    %dma_wait3A_192 = tpu.memref_squeeze %dma_wait3A_191 : memref<1x384x128xf32, #tpu.memory_space<vmem>> -> memref<384x128xf32, #tpu.memory_space<vmem>>
    %dma_wait3A_193 = arith.constant 0 : i32
    %dma_wait3A_194 = arith.constant 0 : i32
    %dma_wait3A_195 = tpu.memref_slice %dma_wait3A_192[%dma_wait3A_193, %dma_wait3A_194] : memref<384x128xf32, #tpu.memory_space<vmem>> -> memref<128x128xf32, #tpu.memory_space<vmem>>
    %dma_wait3A_196 = arith.constant 0 : i32
    %dma_wait3A_197 = tpu.memref_slice %arg5[%dma_wait3A_186, %dma_wait3A_196] : memref<108x128xi32, #tpu.memory_space<vmem>> -> memref<1x128xi32, #tpu.memory_space<vmem>>
    %dma_wait3A_198 = tpu.memref_squeeze %dma_wait3A_197 : memref<1x128xi32, #tpu.memory_space<vmem>> -> memref<128xi32, #tpu.memory_space<vmem>>
    %dma_wait3A_199 = arith.constant 0 : i32
    %dma_wait3A_200 = arith.constant 0 : i32
    %dma_wait3A_201 = tpu.memref_slice %arg2[%dma_wait3A_199, %dma_wait3A_200] : memref<262144x128xf32, #tpu.memory_space<hbm>> -> memref<262144x128xf32, #tpu.memory_space<hbm>>
    %dma_wait3A_202 = tpu.memref_slice %arg7[%dma_wait3A_188] : memref<6x!tpu.dma_semaphore, #tpu.memory_space<semaphore_mem>> -> memref<1x!tpu.dma_semaphore, #tpu.memory_space<semaphore_mem>>
    %dma_wait3A_203 = tpu.memref_squeeze %dma_wait3A_202 : memref<1x!tpu.dma_semaphore, #tpu.memory_space<semaphore_mem>> -> memref<!tpu.dma_semaphore, #tpu.memory_space<semaphore_mem>>
    tpu.wait_indirect_dma semaphore(%dma_wait3A_203 : memref<!tpu.dma_semaphore, #tpu.memory_space<semaphore_mem>>) src(%dma_wait3A_201 : memref<262144x128xf32, #tpu.memory_space<hbm>>) dst(%dma_wait3A_195 : memref<128x128xf32, #tpu.memory_space<vmem>>)
    %dma_wait3A_204 = arith.constant 0 : i32
    %dma_wait3A_205 = arith.constant 1 : i32
    %dma_wait3A_206 = arith.constant 4 : i32
    %dma_wait3A_207 = arith.constant 0 : i32
    %dma_wait3A_208 = arith.constant 0 : i32
    %dma_wait3A_209 = tpu.memref_slice %arg6[%dma_wait3A_205, %dma_wait3A_207, %dma_wait3A_208] : memref<2x384x128xf32, #tpu.memory_space<vmem>> -> memref<1x384x128xf32, #tpu.memory_space<vmem>>
    %dma_wait3A_210 = tpu.memref_squeeze %dma_wait3A_209 : memref<1x384x128xf32, #tpu.memory_space<vmem>> -> memref<384x128xf32, #tpu.memory_space<vmem>>
    %dma_wait3A_211 = arith.constant 128 : i32
    %dma_wait3A_212 = arith.constant 0 : i32
    %dma_wait3A_213 = tpu.memref_slice %dma_wait3A_210[%dma_wait3A_211, %dma_wait3A_212] : memref<384x128xf32, #tpu.memory_space<vmem>> -> memref<128x128xf32, #tpu.memory_space<vmem>>
    %dma_wait3A_214 = arith.constant 0 : i32
    %dma_wait3A_215 = tpu.memref_slice %arg5[%dma_wait3A_204, %dma_wait3A_214] : memref<108x128xi32, #tpu.memory_space<vmem>> -> memref<1x128xi32, #tpu.memory_space<vmem>>
    %dma_wait3A_216 = tpu.memref_squeeze %dma_wait3A_215 : memref<1x128xi32, #tpu.memory_space<vmem>> -> memref<128xi32, #tpu.memory_space<vmem>>
    %dma_wait3A_217 = arith.constant 0 : i32
    %dma_wait3A_218 = arith.constant 0 : i32
    %dma_wait3A_219 = tpu.memref_slice %arg2[%dma_wait3A_217, %dma_wait3A_218] : memref<262144x128xf32, #tpu.memory_space<hbm>> -> memref<262144x128xf32, #tpu.memory_space<hbm>>
    %dma_wait3A_220 = tpu.memref_slice %arg7[%dma_wait3A_206] : memref<6x!tpu.dma_semaphore, #tpu.memory_space<semaphore_mem>> -> memref<1x!tpu.dma_semaphore, #tpu.memory_space<semaphore_mem>>
    %dma_wait3A_221 = tpu.memref_squeeze %dma_wait3A_220 : memref<1x!tpu.dma_semaphore, #tpu.memory_space<semaphore_mem>> -> memref<!tpu.dma_semaphore, #tpu.memory_space<semaphore_mem>>
    tpu.wait_indirect_dma semaphore(%dma_wait3A_221 : memref<!tpu.dma_semaphore, #tpu.memory_space<semaphore_mem>>) src(%dma_wait3A_219 : memref<262144x128xf32, #tpu.memory_space<hbm>>) dst(%dma_wait3A_213 : memref<128x128xf32, #tpu.memory_space<vmem>>)
    %dma_wait3A_222 = arith.constant 0 : i32
    %dma_wait3A_223 = arith.constant 1 : i32
    %dma_wait3A_224 = arith.constant 5 : i32
    %dma_wait3A_225 = arith.constant 0 : i32
    %dma_wait3A_226 = arith.constant 0 : i32
    %dma_wait3A_227 = tpu.memref_slice %arg6[%dma_wait3A_223, %dma_wait3A_225, %dma_wait3A_226] : memref<2x384x128xf32, #tpu.memory_space<vmem>> -> memref<1x384x128xf32, #tpu.memory_space<vmem>>
    %dma_wait3A_228 = tpu.memref_squeeze %dma_wait3A_227 : memref<1x384x128xf32, #tpu.memory_space<vmem>> -> memref<384x128xf32, #tpu.memory_space<vmem>>
    %dma_wait3A_229 = arith.constant 256 : i32
    %dma_wait3A_230 = arith.constant 0 : i32
    %dma_wait3A_231 = tpu.memref_slice %dma_wait3A_228[%dma_wait3A_229, %dma_wait3A_230] : memref<384x128xf32, #tpu.memory_space<vmem>> -> memref<128x128xf32, #tpu.memory_space<vmem>>
    %dma_wait3A_232 = arith.constant 0 : i32
    %dma_wait3A_233 = tpu.memref_slice %arg5[%dma_wait3A_222, %dma_wait3A_232] : memref<108x128xi32, #tpu.memory_space<vmem>> -> memref<1x128xi32, #tpu.memory_space<vmem>>
    %dma_wait3A_234 = tpu.memref_squeeze %dma_wait3A_233 : memref<1x128xi32, #tpu.memory_space<vmem>> -> memref<128xi32, #tpu.memory_space<vmem>>
    %dma_wait3A_235 = arith.constant 0 : i32
    %dma_wait3A_236 = arith.constant 0 : i32
    %dma_wait3A_237 = tpu.memref_slice %arg2[%dma_wait3A_235, %dma_wait3A_236] : memref<262144x128xf32, #tpu.memory_space<hbm>> -> memref<262144x128xf32, #tpu.memory_space<hbm>>
    %dma_wait3A_238 = tpu.memref_slice %arg7[%dma_wait3A_224] : memref<6x!tpu.dma_semaphore, #tpu.memory_space<semaphore_mem>> -> memref<1x!tpu.dma_semaphore, #tpu.memory_space<semaphore_mem>>
    %dma_wait3A_239 = tpu.memref_squeeze %dma_wait3A_238 : memref<1x!tpu.dma_semaphore, #tpu.memory_space<semaphore_mem>> -> memref<!tpu.dma_semaphore, #tpu.memory_space<semaphore_mem>>
    tpu.wait_indirect_dma semaphore(%dma_wait3A_239 : memref<!tpu.dma_semaphore, #tpu.memory_space<semaphore_mem>>) src(%dma_wait3A_237 : memref<262144x128xf32, #tpu.memory_space<hbm>>) dst(%dma_wait3A_231 : memref<128x128xf32, #tpu.memory_space<vmem>>)
    %add3A_240 = arith.constant 13440 : i32
    %add3A_241 = arith.addi %mul3A_2, %add3A_240 : i32
    %dma_start3A_242 = arith.constant 1 : i32
    %dma_start3A_243 = arith.constant 1 : i32
    %dma_start3A_244 = arith.constant 0 : i32
    %dma_start3A_245 = arith.constant 0 : i32
    %dma_start3A_246 = tpu.memref_slice %arg6[%dma_start3A_242, %dma_start3A_244, %dma_start3A_245] : memref<2x384x128xf32, #tpu.memory_space<vmem>> -> memref<1x384x128xf32, #tpu.memory_space<vmem>>
    %dma_start3A_247 = tpu.memref_squeeze %dma_start3A_246 : memref<1x384x128xf32, #tpu.memory_space<vmem>> -> memref<384x128xf32, #tpu.memory_space<vmem>>
    %dma_start3A_248 = arith.constant 0 : i32
    %dma_start3A_249 = tpu.memref_slice %arg4[%add3A_241, %dma_start3A_248] : memref<442368x128xf32, #tpu.memory_space<hbm>> -> memref<384x128xf32, #tpu.memory_space<hbm>>
    %dma_start3A_250 = tpu.memref_slice %arg8[%dma_start3A_243] : memref<2x!tpu.dma_semaphore, #tpu.memory_space<semaphore_mem>> -> memref<1x!tpu.dma_semaphore, #tpu.memory_space<semaphore_mem>>
    %dma_start3A_251 = tpu.memref_squeeze %dma_start3A_250 : memref<1x!tpu.dma_semaphore, #tpu.memory_space<semaphore_mem>> -> memref<!tpu.dma_semaphore, #tpu.memory_space<semaphore_mem>>
    %dma_start3A_252 = arith.constant 0 : i32
    %dma_start3A_253 = tpu.memref_slice %arg4[%add3A_241, %dma_start3A_252] : memref<442368x128xf32, #tpu.memory_space<hbm>> -> memref<384x128xf32, #tpu.memory_space<hbm>>
    %dma_start3A_254 = arith.constant 0 : i32
    %dma_start3A_255 = arith.constant 0 : i32
    %dma_start3A_256 = tpu.memref_slice %arg6[%dma_start3A_242, %dma_start3A_254, %dma_start3A_255] : memref<2x384x128xf32, #tpu.memory_space<vmem>> -> memref<1x384x128xf32, #tpu.memory_space<vmem>>
    %dma_start3A_257 = tpu.memref_squeeze %dma_start3A_256 : memref<1x384x128xf32, #tpu.memory_space<vmem>> -> memref<384x128xf32, #tpu.memory_space<vmem>>
    tpu.enqueue_dma source(%dma_start3A_257 : memref<384x128xf32, #tpu.memory_space<vmem>>) target(%dma_start3A_253 : memref<384x128xf32, #tpu.memory_space<hbm>>) target_semaphore(%dma_start3A_251 : memref<!tpu.dma_semaphore, #tpu.memory_space<semaphore_mem>>)
    %dma_wait3A_258 = arith.constant 0 : i32
    %dma_wait3A_259 = arith.constant 0 : i32
    %dma_wait3A_260 = arith.constant 0 : i32
    %dma_wait3A_261 = arith.constant 0 : i32
    %dma_wait3A_262 = tpu.memref_slice %arg6[%dma_wait3A_258, %dma_wait3A_260, %dma_wait3A_261] : memref<2x384x128xf32, #tpu.memory_space<vmem>> -> memref<1x384x128xf32, #tpu.memory_space<vmem>>
    %dma_wait3A_263 = tpu.memref_squeeze %dma_wait3A_262 : memref<1x384x128xf32, #tpu.memory_space<vmem>> -> memref<384x128xf32, #tpu.memory_space<vmem>>
    %dma_wait3A_264 = arith.constant 0 : i32
    %dma_wait3A_265 = tpu.memref_slice %arg4[%mul3A_2, %dma_wait3A_264] : memref<442368x128xf32, #tpu.memory_space<hbm>> -> memref<384x128xf32, #tpu.memory_space<hbm>>
    %dma_wait3A_266 = tpu.memref_slice %arg8[%dma_wait3A_259] : memref<2x!tpu.dma_semaphore, #tpu.memory_space<semaphore_mem>> -> memref<1x!tpu.dma_semaphore, #tpu.memory_space<semaphore_mem>>
    %dma_wait3A_267 = tpu.memref_squeeze %dma_wait3A_266 : memref<1x!tpu.dma_semaphore, #tpu.memory_space<semaphore_mem>> -> memref<!tpu.dma_semaphore, #tpu.memory_space<semaphore_mem>>
    %dma_wait3A_268 = arith.constant 0 : i32
    %dma_wait3A_269 = tpu.memref_slice %arg4[%mul3A_2, %dma_wait3A_268] : memref<442368x128xf32, #tpu.memory_space<hbm>> -> memref<384x128xf32, #tpu.memory_space<hbm>>
    %dma_wait3A_270 = arith.constant 0 : i32
    %dma_wait3A_271 = arith.constant 0 : i32
    %dma_wait3A_272 = tpu.memref_slice %arg6[%dma_wait3A_258, %dma_wait3A_270, %dma_wait3A_271] : memref<2x384x128xf32, #tpu.memory_space<vmem>> -> memref<1x384x128xf32, #tpu.memory_space<vmem>>
    %dma_wait3A_273 = tpu.memref_squeeze %dma_wait3A_272 : memref<1x384x128xf32, #tpu.memory_space<vmem>> -> memref<384x128xf32, #tpu.memory_space<vmem>>
    tpu.wait_dma2 semaphore(%dma_wait3A_267 : memref<!tpu.dma_semaphore, #tpu.memory_space<semaphore_mem>>) src(%dma_wait3A_273 : memref<384x128xf32, #tpu.memory_space<vmem>>) dst(%dma_wait3A_269 : memref<384x128xf32, #tpu.memory_space<hbm>>)
    %dma_wait3A_274 = arith.constant 1 : i32
    %dma_wait3A_275 = arith.constant 1 : i32
    %dma_wait3A_276 = arith.constant 0 : i32
    %dma_wait3A_277 = arith.constant 0 : i32
    %dma_wait3A_278 = tpu.memref_slice %arg6[%dma_wait3A_274, %dma_wait3A_276, %dma_wait3A_277] : memref<2x384x128xf32, #tpu.memory_space<vmem>> -> memref<1x384x128xf32, #tpu.memory_space<vmem>>
    %dma_wait3A_279 = tpu.memref_squeeze %dma_wait3A_278 : memref<1x384x128xf32, #tpu.memory_space<vmem>> -> memref<384x128xf32, #tpu.memory_space<vmem>>
    %dma_wait3A_280 = arith.constant 0 : i32
    %dma_wait3A_281 = tpu.memref_slice %arg4[%mul3A_2, %dma_wait3A_280] : memref<442368x128xf32, #tpu.memory_space<hbm>> -> memref<384x128xf32, #tpu.memory_space<hbm>>
    %dma_wait3A_282 = tpu.memref_slice %arg8[%dma_wait3A_275] : memref<2x!tpu.dma_semaphore, #tpu.memory_space<semaphore_mem>> -> memref<1x!tpu.dma_semaphore, #tpu.memory_space<semaphore_mem>>
    %dma_wait3A_283 = tpu.memref_squeeze %dma_wait3A_282 : memref<1x!tpu.dma_semaphore, #tpu.memory_space<semaphore_mem>> -> memref<!tpu.dma_semaphore, #tpu.memory_space<semaphore_mem>>
    %dma_wait3A_284 = arith.constant 0 : i32
    %dma_wait3A_285 = tpu.memref_slice %arg4[%mul3A_2, %dma_wait3A_284] : memref<442368x128xf32, #tpu.memory_space<hbm>> -> memref<384x128xf32, #tpu.memory_space<hbm>>
    %dma_wait3A_286 = arith.constant 0 : i32
    %dma_wait3A_287 = arith.constant 0 : i32
    %dma_wait3A_288 = tpu.memref_slice %arg6[%dma_wait3A_274, %dma_wait3A_286, %dma_wait3A_287] : memref<2x384x128xf32, #tpu.memory_space<vmem>> -> memref<1x384x128xf32, #tpu.memory_space<vmem>>
    %dma_wait3A_289 = tpu.memref_squeeze %dma_wait3A_288 : memref<1x384x128xf32, #tpu.memory_space<vmem>> -> memref<384x128xf32, #tpu.memory_space<vmem>>
    tpu.wait_dma2 semaphore(%dma_wait3A_283 : memref<!tpu.dma_semaphore, #tpu.memory_space<semaphore_mem>>) src(%dma_wait3A_289 : memref<384x128xf32, #tpu.memory_space<vmem>>) dst(%dma_wait3A_285 : memref<384x128xf32, #tpu.memory_space<hbm>>)
    return
  }
}

</mosaic_0001>

<sc_bundles>
// kernel: _sc_gather.3.cloned.1.call-start
scs
__scs_entry_jumppad:
0x0: {  	(pc) =	sbr.rel $0x88, $3  }
0x1: {  	(tag) =	ssettag $0x0;
	lr =	simm.s32 $0x1  }
0x2: {  	[smem:$0x3F9F] =	sst lr;
	_ =	strace $0xD0000000  }
0x3: {  	_ = 	snop  }
0x4: {  	_ = 	snop  }
0x5: {  	_ = 	snop  }
0x6: {  	_ = 	snop  }
0x7: {  	_ = 	snop  }
__scs_overlays_trampoline_lowered:
0x8: {  	[smem:$0x3FAE] =	sst s0  }
0x9: {  	[smem:$0x3FAF] =	sst s1  }
0xa: {  	[smem:$0x3FB0] =	sst s2  }
0xb: {  	[smem:$0x3FB1] =	sst s3  }
0xc: {  	[smem:$0x3FB2] =	sst s4  }
0xd: {  	[smem:$0x3FB3] =	sst s5  }
0xe: {  	[smem:$0x3FB4] =	sst s6  }
0xf: {  	[smem:$0x3FB5] =	sst s7  }
0x10: {  	[smem:$0x3FB6] =	sst s8  }
0x11: {  	[smem:$0x3FB7] =	sst s9;
	s0 =	simm.s32 @!p0 $0x0  }
0x12: {  	s1 =	sld [smem:$0x3F9D];
	s0 =	simm.s32 @p0 $0x1  }
0x13: {  	[smem:$0x3FB8] =	sst s0;
	s0 =	simm.s32 @!p1 $0x0  }
0x14: {  	s2 =	sld [smem:$0x3F9C];
	s0 =	simm.s32 @p1 $0x1  }
0x15: {  	[smem:$0x3FB9] =	sst s0;
	s0 =	simm.s32 @!p2 $0x0  }
0x16: {  	s3 =	sld [smem:$0x3FDB];
	s0 =	simm.s32 @p2 $0x1  }
0x17: {  	s4 =	simm.s32 $0x1BF5;
	[smem:$0x3FBB] =	sst s0  }
0x18: {  	s0 =	sld [smem:$0x3F9E];
	_ =	swait.ge [sflag:s4], $0x0  }
0x19: {  	s7 =	sld [smem:$0x3F9F]  }
0x1a: {  	s8 =	sadd.s32 $0xFFFFE003, lr  }
0x1b: {  	s9 =	sadd.s32 $0xFFFFFEF7, lr;
	s5 =	simm.s32 $0xFFFFFFFF;
	p2 =	slt.u32 s8, $0xFFFFF086  }
0x1c: {  	p1 =	slt.u32 s9, $0xF7A;
	s5 =	simm.s32 @!p2 $0x0  }
0x1d: {  	s5 =	simm.s32 @p1 $0x1;
	p0 =	seq.s32 s7, s2  }
0x1e: {  	s7 =	smul.u32 @!p0 $0xF7A, s2;
	p2 =	seq.s32 @!p0 s5, $0x0  }
0x1f: {  	s9 =	smul.u32 $0xF7A, s1;
	s8 =	simm.s32 @!p0 $0x1BF5;
	p2 =	por !p2, p0  }
0x20: {  	[sflag:s8] =	ssyncset.s32 @!p0 $0xFFFFF086;
	s6 =	sadd.s32 @!p0 s3, s7;
	s7 =	simm.s32 @!p0 $0x108  }
0x21: {  	s3 =	sadd.s32 s3, s9;
	s6 =	sadd.s32 @!p0 $0x88, s6;
	s7 =	simm.s32 @p2 $0x1082  }
0x22: {  	[simem:s7], [sflag:s8] =	dma.local @!p0 [hbm:s6], $0xF7A  }
0x23: {  	s9 =	sor.u32 $0xD0000000, s2;
	s6 =	simm.s32 $0x108;
	_ =	swait.ge @!p0 [sflag:s8], $0x0  }
0x24: {  	s3 =	sadd.s32 $0x88, s3;
	s6 =	simm.s32 @!p1 $0x1082;
	[sflag:s4] =	ssyncset.s32 $0xFFFFF086  }
0x25: {  	[simem:s6], [sflag:s4] =	dma.local [hbm:s3], $0xF7A  }
0x26: {  	[smem:$0x3F9F] =	sst s1;
	(tag) =	ssettag s2;
	_ =	strace s9  }
0x27: {  	s1 =	sld [smem:$0x3FAF]  }
0x28: {  	s2 =	sld [smem:$0x3FB0]  }
0x29: {  	s4 =	sld [smem:$0x3FB2]  }
0x2a: {  	p0 =	seq.s32 s5, $0x0;
	s5 =	sld [smem:$0x3FB3]  }
0x2b: {  	s6 =	sld [smem:$0x3FB4]  }
0x2c: {  	s7 =	sld [smem:$0x3FB5]  }
0x2d: {  	s3 =	simm.s32 $0x108;
	s8 =	sld [smem:$0x3FB6]  }
0x2e: {  	s3 =	simm.s32 @!p0 $0x1082;
	s9 =	sld [smem:$0x3FB7]  }
0x2f: {  	lr =	sadd.s32 s0, s3;
	s0 =	sld [smem:$0x3FAE]  }
0x30: {  	s3 =	sld [smem:$0x3FB1]  }
0x31: {  	[smem:$0x3FBA] =	sst s10  }
0x32: {  	s10 =	sld [smem:$0x3FB8];
	_ =	sdelay $0x3  }
0x33: {  	p0 =	seq.s32 s10, $0x1;
	s10 =	sld [smem:$0x3FBA];
	_ =	sdelay $0x3  }
0x34: {  	[smem:$0x3FBA] =	sst s10  }
0x35: {  	s10 =	sld [smem:$0x3FB9];
	_ =	sdelay $0x3  }
0x36: {  	p1 =	seq.s32 s10, $0x1;
	s10 =	sld [smem:$0x3FBA];
	_ =	sdelay $0x3  }
0x37: {  	[smem:$0x3FBA] =	sst s10  }
0x38: {  	s10 =	sld [smem:$0x3FBB]  }
0x39: {  	_ = 	snop;
	(pc) =	sbr.ind lr, $3  }
0x3a: {  	_ = 	snop  }
0x3b: {  	_ = 	snop  }
0x3c: {  	p2 =	seq.s32 s10, $0x1;
	s10 =	sld [smem:$0x3FBA]  }
0x3d: {  	_ =	shalt  }
0x3e: {  	_ =	shalt  }
0x3f: {  	_ =	shalt  }
0x40: {  	_ =	shalt  }
0x41: {  	_ =	shalt  }
0x42: {  	_ =	shalt  }
0x43: {  	_ =	shalt  }
0x44: {  	_ =	shalt  }
0x45: {  	_ =	shalt  }
0x46: {  	_ =	shalt  }
0x47: {  	_ =	shalt  }
0x48: {  	_ =	shalt  }
0x49: {  	_ =	shalt  }
0x4a: {  	_ =	shalt  }
0x4b: {  	_ =	shalt  }
0x4c: {  	_ =	shalt  }
0x4d: {  	_ =	shalt  }
0x4e: {  	_ =	shalt  }
0x4f: {  	_ =	shalt  }
0x50: {  	_ =	shalt  }
0x51: {  	_ =	shalt  }
0x52: {  	_ =	shalt  }
0x53: {  	_ =	shalt  }
0x54: {  	_ =	shalt  }
0x55: {  	_ =	shalt  }
0x56: {  	_ =	shalt  }
0x57: {  	_ =	shalt  }
0x58: {  	_ =	shalt  }
0x59: {  	_ =	shalt  }
0x5a: {  	_ =	shalt  }
0x5b: {  	_ =	shalt  }
0x5c: {  	_ =	shalt  }
0x5d: {  	_ =	shalt  }
0x5e: {  	_ =	shalt  }
0x5f: {  	_ =	shalt  }
0x60: {  	_ =	shalt  }
0x61: {  	_ =	shalt  }
0x62: {  	_ =	shalt  }
0x63: {  	_ =	shalt  }
0x64: {  	_ =	shalt  }
0x65: {  	_ =	shalt  }
0x66: {  	_ =	shalt  }
0x67: {  	_ =	shalt  }
0x68: {  	_ =	shalt  }
0x69: {  	_ =	shalt  }
0x6a: {  	_ =	shalt  }
0x6b: {  	_ =	shalt  }
0x6c: {  	_ =	shalt  }
0x6d: {  	_ =	shalt  }
0x6e: {  	_ =	shalt  }
0x6f: {  	_ =	shalt  }
0x70: {  	_ =	shalt  }
0x71: {  	_ =	shalt  }
0x72: {  	_ =	shalt  }
0x73: {  	_ =	shalt  }
0x74: {  	_ =	shalt  }
0x75: {  	_ =	shalt  }
0x76: {  	_ =	shalt  }
0x77: {  	_ =	shalt  }
0x78: {  	_ =	shalt  }
0x79: {  	_ =	shalt  }
0x7a: {  	_ =	shalt  }
0x7b: {  	_ =	shalt  }
0x7c: {  	_ =	shalt  }
0x7d: {  	_ =	shalt  }
0x7e: {  	_ =	shalt  }
0x7f: {  	_ =	shalt  }
0x80: {  	_ =	shalt  }
0x81: {  	_ =	shalt  }
0x82: {  	_ =	shalt  }
0x83: {  	_ =	shalt  }
0x84: {  	_ =	shalt  }
0x85: {  	_ =	shalt  }
0x86: {  	_ =	shalt  }
0x87: {  	_ =	shalt  }
.Lfunc_end0:
.L_simem_size_0:
called_computation_lowered:
.L_overlay_start_0:
0x88: {  	s2 =	sld [smem:$0x3FD9]  }
0x89: {  	s3 =	sld [smem:$0x3FFE];
	_ =	sdelay $0x1  }
0x8a: {  	s1 =	srdreg.scid  }
0x8b: {  	s0 =	sand.u32 $0x1, s1  }
0x8c: {  	s17 =	sshll.u32 s0, $0xA;
	s2 =	sadd.s32 s3, s2  }
0x8d: {  	s2 =	sadd.s32 s2, s17  }
0x8e: {  	[smem:$0x3FC6] =	sst s2  }
0x8f: {  	_ = 	snop  }
0x90: {  	s2 =	sld [smem:$0x3FC9]  }
0x91: {  	s18 =	sld [smem:$0x3FD0];
	(tm) =	ssettm $0x1  }
0x92: {  	s4 =	sld [smem:$0x3FFB];
	_ =	sdelay $0x3  }
0x93: {  	_ =	strace s4  }
0x94: {  	s4 =	sld [smem:$0x3FFC];
	_ =	sdelay $0x3  }
0x95: {  	_ =	strace s4  }
0x96: {  	s4 =	sld [smem:$0x3FFD];
	_ =	sdelay $0x3  }
0x97: {  	_ =	strace s4  }
0x98: {  	_ =	strace $0x8FFFFFFF  }
0x99: {  	s19 =	sld [smem:$0x3FDB];
	_ =	sdelay $0x1  }
0x9a: {  	s5 =	simm.s32 $_scs_section_size  }
0x9b: {  	s6 =	simm.s32 $_size__tile_overlayer_lowered;
	s7 =	simm.s32 $_tile_overlayer_lowered  }
0x9c: {  	s22 =	simm.s32 $0x1BFF;
	s21 =	sshll.u32 s7, $0x1;
	s4 =	sadd.s32 s5, s19  }
0x9d: {  	s8 =	simm.s32 $0x0;
	s20 =	sshll.u32 s6, $0x1;
	s6 =	sadd.s32 s21, s4  }
0x9e: {  	[timem:s8], [sflag:s22] =	dma.local [hbm:s6], s20  }
0x9f: {  	_ =	swait.ge [sflag:s22], s20  }
0xa0: {  	s5 =	ssub.s32 $0x0, s20;
	[sflag:s22] =	ssyncset.done $0x0  }
0xa1: {  	[sflag:s22] =	ssyncadd.s32 s5;
	_ =	sdelay $0x1  }
0xa2: {  	s23 =	simm.s32 $0x1B8B  }
0xa3: {  	_ =	swait.ge [sflag:s23], $0x1  }
0xa4: {  	[sflag:s23] =	ssyncset.done $0x0  }
0xa5: {  	s25 =	simm.s32 $0x1B8E;
	s24 =	sld [smem:$0x3FFE];
	[sflag:s23] =	ssyncadd.s32 $0xFFFFFFFF  }
0xa6: {  	s26 =	simm.s32 $execute0_lowered;
	[smem:$0x3FD2] =	sst s25  }
0xa7: {  	s6 =	sshll.u32 s26, $0x1;
	_ =	strace $0x80000046;
	[dreg:$0x1] =	wrdreg $0xFFFFFFFF  }
0xa8: {  	s28 =	simm.s32 $_size_execute0_lowered;
	s4 =	sadd.s32 s4, s6;
	[dreg:$0x0] =	wrdreg $0x0  }
0xa9: {  	s6 =	sshll.u32 s28, $0x1;
	[dreg:$0x2] =	wrdreg s4  }
0xaa: {  	[dreg:$0x3] =	wrdreg s6  }
0xab: {  	[dreg:$0x4] =	wrdreg $0xC0  }
0xac: {  	_ =	task [dreg:s8], $0x5FFFF  }
0xad: {  	[dreg:$0x1] =	wrdreg $0xFFFFFFFF  }
0xae: {  	[dreg:$0x0] =	wrdreg $0x60  }
0xaf: {  	[dreg:$0x2] =	wrdreg s2  }
0xb0: {  	[dreg:$0x3] =	wrdreg s24  }
0xb1: {  	[dreg:$0x4] =	wrdreg s18  }
0xb2: {  	[dreg:$0x5] =	wrdreg $0x9  }
0xb3: {  	_ =	task.clear_ibuf [dreg:s8], $0x6FFFF;
	_ =	strace $0x90000046  }
0xb4: {  	s29 =	simm.s32 $0x9;
	_ =	strace $0x80000048  }
0xb5: {  	_ =	swait.ge [sflag:s29], $0x1  }
0xb6: {  	[sflag:s29] =	ssyncadd.s32 $0xFFFFFFFF  }
0xb7: {  	_ =	strace $0x90000048  }
0xb8: {  	_ =	sfence  }
0xb9: {  	s30 =	sld [smem:$0x0];
	_ =	sdelay $0x2  }
0xba: {  	s31 =	sshll.u32 s1, $0xD;
	s1 =	sshrl.u32 s1, $0x2  }
0xbb: {  	s3 =	sand.u32 $0x4000, s31;
	s1 =	sadd.s32 s1, s30  }
0xbc: {  	s0 =	sor.u32 s3, s0;
	s1 =	sshll.u32 s1, $0x11  }
0xbd: {  	s0 =	sor.u32 s1, s0  }
0xbe: {  	s0 =	sadd.s32 $0x8F2B, s0  }
0xbf: {  	[sflag:s0] =	ssyncadd.remote.s32 $0x1  }
0xc0: {  	_ =	sfence.sel $0xFFFF  }
0xc1: {  	[dreg:$0x0] =	wrdreg $0xFFFFFFFF;
	(pc) =	sbr.abs _section_cstart, $3  }
0xc2: {  	[dreg:$0x1] =	wrdreg $0xFFFFFFFF  }
0xc3: {  	_ =	task.clear_ibuf [dreg:s8], $0x2FFFF;
	_ =	strace $0x9FFFFFFF  }
0xc4: {  	(tm) =	ssettm $0x7FFFFFFF  }
0xc5: {  	_ =	shalt  }
tec
execute0_lowered:
.L_overlay_start_1:
0x0: {  	(tag) =	ssettag $0x1  }
0x1: {  	s1 =	rddreg [dreg:$0x0]  }
0x2: {  	s0 =	rddreg [dreg:$0x1];
	s2 =	srdreg.scid  }
0x3: {  	s7 =	stileid.u32;
	s4 =	rddreg [dreg:$0x2];
	s3 =	simm.s32 $0x0  }
0x4: {  	s9 =	simm.s32 $0x9;
	s10 =	simm.s32 $0x80;
	s11 =	simm.s32 $0x3800  }
0x5: {  	s12 =	simm.s32 $0x7800;
	s14 =	simm.s32 $0xB800;
	s15 =	simm.s32 $0x180  }
0x6: {  	s16 =	simm.s32 $0xF800;
	s17 =	simm.s32 $0x200;
	s18 =	simm.s32 $0x13800  }
0x7: {  	s19 =	simm.s32 $0x280;
	s20 =	simm.s32 $0x17800;
	s21 =	simm.s32 $0x1  }
0x8: {  	s22 =	simm.s32 $0x2;
	s23 =	simm.s32 $0x3;
	s24 =	simm.s32 $0x4  }
0x9: {  	s28 =	simm.s32 $0x7;
	s29 =	simm.s32 $0x8;
	s2 =	sand.u32 $0x1, s2  }
0xa: {  	s5 =	sshll.u32 s7, $0x1;
	[smem:$0x7FF] =	sst s3;
	s7 =	smul.u32 $0x6C000, s7  }
0xb: {  	s5 =	sor.u32 s2, s5;
	s25 =	ssub.s32 $0x2, s2;
	s2 =	smul.u32 $0x36000, s2  }
0xc: {  	s30 =	simm.s32 $0x0;
	_ =	strace $0x80000047;
	s6 =	smul.u32 $0x700, s5  }
0xd: {  	s5 =	smul.u32 $0x1B0000, s5;
	s8 =	sshrl.u32 s25, $0x1;
	s7 =	sadd.s32 s7, s4  }
0xe: {  	s8 =	ssub.s32 s25, s8;
	s31 =	sadd.s32 s2, s7;
	s25 =	simm.s32 $0x5  }
0xf: {  	s0 =	sadd.s32 s6, s0;
	s5 =	sshrl.u32 s5, $0x3;
	s7 =	smax.u32 s8, $0x1  }
0x10: {  	s8 =	sadd.s32 $0x1800, s31;
	s26 =	sadd.s32 s4, s5;
	s4 =	sadd.s32 $0x400, s0  }
0x11: {  	s5 =	sadd.s32 $0x33000, s26;
	s6 =	sadd.s32 $0x34800, s26;
	s26 =	simm.s32 $0x6  }
.LBB2_1:
0x12: {  	[tilespmem:s3], [sflag:$0x9] =	stream.linear.gather [hbm4b:s4+s3], $0x3600, $0x38;
	[tilespmem:$0x1B800] =	vst v63  }
0x13: {  	_ =	swait.ge [sflag:s9], $0x3600  }
0x14: {  	[sflag:s9] =	ssyncset.done $0x0  }
0x15: {  	[sflag:s9] =	ssyncadd.s32 $0xFFFFCA00  }
0x16: {  	[tilespmem:s11], [sflag:$0x1] =	stream.indirect.gather [hbm4b:s1+s10], $0x80, s3, s10, $0xb8;
	[tilespmem:$0x1B800] =	vst v63  }
0x17: {  	_ = 	snop  }
0x18: {  	[tilespmem:s12], [sflag:$0x2] =	stream.indirect.gather [hbm4b:s1+s10], $0x80, s10, s10, $0xb8;
	[tilespmem:$0x1B800] =	vst v63  }
0x19: {  	s0 =	simm.s32 $0x100  }
0x1a: {  	[tilespmem:s14], [sflag:$0x3] =	stream.indirect.gather [hbm4b:s1+s10], $0x80, s0, s10, $0xb8;
	[tilespmem:$0x1B800] =	vst v63  }
0x1b: {  	_ = 	snop  }
0x1c: {  	[tilespmem:s16], [sflag:$0x4] =	stream.indirect.gather [hbm4b:s1+s10], $0x80, s15, s10, $0xb8;
	[tilespmem:$0x1B800] =	vst v63  }
0x1d: {  	_ = 	snop  }
0x1e: {  	[tilespmem:s18], [sflag:$0x5] =	stream.indirect.gather [hbm4b:s1+s10], $0x80, s17, s10, $0xb8;
	[tilespmem:$0x1B800] =	vst v63  }
0x1f: {  	_ = 	snop  }
0x20: {  	[tilespmem:s20], [sflag:$0x6] =	stream.indirect.gather [hbm4b:s1+s10], $0x80, s19, s10, $0xb8;
	[tilespmem:$0x1B800] =	vst v63  }
0x21: {  	_ =	swait.ge [sflag:s21], $0x4000  }
0x22: {  	[sflag:s21] =	ssyncset.done $0x0  }
0x23: {  	[sflag:s21] =	ssyncadd.s32 $0xFFFFC000  }
0x24: {  	_ =	swait.ge [sflag:s22], $0x4000  }
0x25: {  	[sflag:s22] =	ssyncset.done $0x0  }
0x26: {  	[sflag:s22] =	ssyncadd.s32 $0xFFFFC000  }
0x27: {  	_ =	swait.ge [sflag:s23], $0x4000  }
0x28: {  	[sflag:s23] =	ssyncset.done $0x0  }
0x29: {  	s2 =	sadd.s32 $0xFFFFE800, s8;
	[sflag:s23] =	ssyncadd.s32 $0xFFFFC000  }
0x2a: {  	[hbm4b:s2+s3] =	stream.linear.scatter [tilespmem:s11], [sflag:$0x7], $0xC000, $0x38;
	[tilespmem:$0x1B800] =	vst v63  }
0x2b: {  	_ =	swait.ge [sflag:s24], $0x4000  }
0x2c: {  	[sflag:s24] =	ssyncset.done $0x0  }
0x2d: {  	[sflag:s24] =	ssyncadd.s32 $0xFFFFC000  }
0x2e: {  	_ =	swait.ge [sflag:s25], $0x4000  }
0x2f: {  	[sflag:s25] =	ssyncset.done $0x0  }
0x30: {  	[sflag:s25] =	ssyncadd.s32 $0xFFFFC000  }
0x31: {  	_ =	swait.ge [sflag:s26], $0x4000  }
0x32: {  	[sflag:s26] =	ssyncset.done $0x0  }
0x33: {  	[sflag:s26] =	ssyncadd.s32 $0xFFFFC000  }
0x34: {  	[hbm4b:s8+s3] =	stream.linear.scatter [tilespmem:s16], [sflag:$0x8], $0xC000, $0x38;
	[tilespmem:$0x1B800] =	vst v63  }
0x35: {  	_ =	swait.ge [sflag:s28], $0xC000  }
0x36: {  	[sflag:s28] =	ssyncset.done $0x0  }
0x37: {  	s13 =	simm.s32 $0x300;
	[sflag:s28] =	ssyncadd.s32 $0xFFFF4000  }
0x38: {  	[tilespmem:s11], [sflag:$0x1] =	stream.indirect.gather [hbm4b:s1+s10], $0x80, s13, s10, $0xb8;
	[tilespmem:$0x1B800] =	vst v63  }
0x39: {  	s2 =	simm.s32 $0x380  }
0x3a: {  	[tilespmem:s12], [sflag:$0x2] =	stream.indirect.gather [hbm4b:s1+s10], $0x80, s2, s10, $0xb8;
	[tilespmem:$0x1B800] =	vst v63  }
0x3b: {  	s13 =	simm.s32 $0x400  }
0x3c: {  	[tilespmem:s14], [sflag:$0x3] =	stream.indirect.gather [hbm4b:s1+s10], $0x80, s13, s10, $0xb8;
	[tilespmem:$0x1B800] =	vst v63  }
0x3d: {  	_ =	swait.ge [sflag:s29], $0xC000  }
0x3e: {  	[sflag:s29] =	ssyncset.done $0x0  }
0x3f: {  	s31 =	simm.s32 $0xC00;
	s2 =	simm.s32 $0x480;
	[sflag:s29] =	ssyncadd.s32 $0xFFFF4000  }
0x40: {  	[tilespmem:s16], [sflag:$0x4] =	stream.indirect.gather [hbm4b:s1+s10], $0x80, s2, s10, $0xb8;
	[tilespmem:$0x1B800] =	vst v63  }
0x41: {  	s0 =	simm.s32 $0x580;
	s13 =	simm.s32 $0x500;
	s2 =	sadd.s32 $0x3000, s8  }
0x42: {  	[tilespmem:s18], [sflag:$0x5] =	stream.indirect.gather [hbm4b:s1+s10], $0x80, s13, s10, $0xb8;
	[tilespmem:$0x1B800] =	vst v63  }
.LBB2_2:
0x43: {  	[tilespmem:s20], [sflag:$0x6] =	stream.indirect.gather [hbm4b:s1+s10], $0x80, s0, s10, $0xb8;
	[tilespmem:$0x1B800] =	vst v63  }
0x44: {  	s0 =	smov.u32 s31  }
0x45: {  	p0 =	sne.s32 s31, $0xC000;
	s31 =	sadd.s32 $0xC00, s31;
	_ =	swait.ge [sflag:s21], $0x4000  }
0x46: {  	[sflag:s21] =	ssyncset.done $0x0  }
0x47: {  	[sflag:s21] =	ssyncadd.s32 $0xFFFFC000  }
0x48: {  	_ =	swait.ge [sflag:s22], $0x4000  }
0x49: {  	[sflag:s22] =	ssyncset.done $0x0  }
0x4a: {  	[sflag:s22] =	ssyncadd.s32 $0xFFFFC000  }
0x4b: {  	_ =	swait.ge [sflag:s23], $0x4000  }
0x4c: {  	[sflag:s23] =	ssyncset.done $0x0  }
0x4d: {  	s13 =	sadd.s32 $0xFFFFE800, s2;
	[sflag:s23] =	ssyncadd.s32 $0xFFFFC000  }
0x4e: {  	[hbm4b:s13+s3] =	stream.linear.scatter [tilespmem:s11], [sflag:$0x7], $0xC000, $0x38;
	[tilespmem:$0x1B800] =	vst v63  }
0x4f: {  	_ =	swait.ge [sflag:s24], $0x4000  }
0x50: {  	[sflag:s24] =	ssyncset.done $0x0  }
0x51: {  	[sflag:s24] =	ssyncadd.s32 $0xFFFFC000  }
0x52: {  	_ =	swait.ge [sflag:s25], $0x4000  }
0x53: {  	[sflag:s25] =	ssyncset.done $0x0  }
0x54: {  	[sflag:s25] =	ssyncadd.s32 $0xFFFFC000  }
0x55: {  	_ =	swait.ge [sflag:s26], $0x4000  }
0x56: {  	[sflag:s26] =	ssyncset.done $0x0  }
0x57: {  	[sflag:s26] =	ssyncadd.s32 $0xFFFFC000  }
0x58: {  	[hbm4b:s2+s3] =	stream.linear.scatter [tilespmem:s16], [sflag:$0x8], $0xC000, $0x38;
	[tilespmem:$0x1B800] =	vst v63  }
0x59: {  	_ =	swait.ge [sflag:s28], $0xC000  }
0x5a: {  	s0 =	sshra.s32 s0, $0x2;
	[sflag:s28] =	ssyncset.done $0x0  }
0x5b: {  	s13 =	sadd.s32 $0x300, s0;
	[sflag:s28] =	ssyncadd.s32 $0xFFFF4000  }
0x5c: {  	[tilespmem:s11], [sflag:$0x1] =	stream.indirect.gather [hbm4b:s1+s10], $0x80, s13, s10, $0xb8;
	[tilespmem:$0x1B800] =	vst v63  }
0x5d: {  	s13 =	sadd.s32 $0x380, s0  }
0x5e: {  	[tilespmem:s12], [sflag:$0x2] =	stream.indirect.gather [hbm4b:s1+s10], $0x80, s13, s10, $0xb8;
	[tilespmem:$0x1B800] =	vst v63  }
0x5f: {  	s13 =	sadd.s32 $0x400, s0  }
0x60: {  	[tilespmem:s14], [sflag:$0x3] =	stream.indirect.gather [hbm4b:s1+s10], $0x80, s13, s10, $0xb8;
	[tilespmem:$0x1B800] =	vst v63  }
0x61: {  	_ =	swait.ge [sflag:s29], $0xC000  }
0x62: {  	[sflag:s29] =	ssyncset.done $0x0  }
.Ltmp0:
0x63: {  	s13 =	sadd.s32 $0x480, s0;
	[sflag:s29] =	ssyncadd.s32 $0xFFFF4000;
	(pc) =	sbr.rel @p0 .LBB2_2-.Ltmp0, $4  }
0x64: {  	[tilespmem:s16], [sflag:$0x4] =	stream.indirect.gather [hbm4b:s1+s10], $0x80, s13, s10, $0xb8;
	[tilespmem:$0x1B800] =	vst v63  }
0x65: {  	s13 =	sadd.s32 $0x500, s0  }
0x66: {  	[tilespmem:s18], [sflag:$0x5] =	stream.indirect.gather [hbm4b:s1+s10], $0x80, s13, s10, $0xb8;
	[tilespmem:$0x1B800] =	vst v63  }
0x67: {  	s2 =	sadd.s32 $0x3000, s2;
	s0 =	sadd.s32 $0x580, s0  }
0x68: {  	[tilespmem:s20], [sflag:$0x6] =	stream.indirect.gather [hbm4b:s1+s10], $0x80, s0, s10, $0xb8;
	[tilespmem:$0x1B800] =	vst v63  }
0x69: {  	_ =	swait.ge [sflag:s21], $0x4000  }
0x6a: {  	[sflag:s21] =	ssyncset.done $0x0  }
0x6b: {  	[sflag:s21] =	ssyncadd.s32 $0xFFFFC000  }
0x6c: {  	_ =	swait.ge [sflag:s22], $0x4000  }
0x6d: {  	[sflag:s22] =	ssyncset.done $0x0  }
0x6e: {  	[sflag:s22] =	ssyncadd.s32 $0xFFFFC000  }
0x6f: {  	_ =	swait.ge [sflag:s23], $0x4000  }
0x70: {  	[sflag:s23] =	ssyncset.done $0x0  }
0x71: {  	[sflag:s23] =	ssyncadd.s32 $0xFFFFC000  }
0x72: {  	[hbm4b:s5+s3] =	stream.linear.scatter [tilespmem:s11], [sflag:$0x7], $0xC000, $0x38;
	[tilespmem:$0x1B800] =	vst v63  }
0x73: {  	_ =	swait.ge [sflag:s24], $0x4000  }
0x74: {  	[sflag:s24] =	ssyncset.done $0x0  }
0x75: {  	[sflag:s24] =	ssyncadd.s32 $0xFFFFC000  }
0x76: {  	_ =	swait.ge [sflag:s25], $0x4000  }
0x77: {  	[sflag:s25] =	ssyncset.done $0x0  }
0x78: {  	[sflag:s25] =	ssyncadd.s32 $0xFFFFC000  }
0x79: {  	_ =	swait.ge [sflag:s26], $0x4000  }
0x7a: {  	[sflag:s26] =	ssyncset.done $0x0  }
0x7b: {  	s30 =	sadd.s32 $0x1, s30;
	[sflag:s26] =	ssyncadd.s32 $0xFFFFC000  }
0x7c: {  	[hbm4b:s6+s3] =	stream.linear.scatter [tilespmem:s16], [sflag:$0x8], $0xC000, $0x38;
	[tilespmem:$0x1B800] =	vst v63  }
0x7d: {  	p0 =	sne.s32 s30, s7;
	_ =	swait.ge [sflag:s28], $0xC000  }
.Ltmp1:
0x7e: {  	[sflag:s28] =	ssyncset.done $0x0;
	(pc) =	sbr.rel @p0 .LBB2_1-.Ltmp1, $4  }
0x7f: {  	[sflag:s28] =	ssyncadd.s32 $0xFFFF4000  }
0x80: {  	_ =	swait.ge [sflag:s29], $0xC000  }
0x81: {  	[sflag:s29] =	ssyncset.done $0x0  }
0x82: {  	[sflag:s29] =	ssyncadd.s32 $0xFFFF4000  }
0x83: {  	_ =	sfence.sel $0x180000  }
0x84: {  	[bflag:$0x0] =	sbarrier.arrive $0xFFFF  }
0x85: {  	_ =	strace $0x90000047  }
0x86: {  	s0 =	stileid.u32;
	[bflag:$0x2] =	sbarrier.arrive $0xFFFF  }
0x87: {  	p0 =	sne.s32 s0, $0x0;
	s0 =	rddreg [dreg:$0x3]  }
0x88: {  	s0 =	sadd.s32 @!p0 $0x100000, s0  }
0x89: {  	[sflag:s0] =	ssyncadd.tile.s32 @!p0 $0x1;
	_ =	shalt  }
.Lfunc_end2:
_tile_overlayer_lowered:
.L_overlay_start_2:
0x8a: {  	(tag) =	ssettag $0x2  }
0x8b: {  	s0 =	rddreg [dreg:$0x0];
	s2 =	stileid.u32  }
0x8c: {  	s1 =	rddreg [dreg:$0x1];
	p0 =	sne.s32 s2, $0x0  }
0x8d: {  	s3 =	rddreg [dreg:$0x2];
	[bflag:$0x3] =	sbarrier.arrive $0xFFFF;
	s2 =	simm.s32 @!p0 $0x1C09  }
0x8e: {  	[timem:s3], [sflag:s2] =	dma.local @!p0 [hbm:s0], s1  }
0x8f: {  	s0 =	simm.s32 @!p0 $0x9  }
0x90: {  	_ =	swait.ge @!p0 [sflag:s0], s1  }
0x91: {  	s1 =	ssub.s32 @!p0 $0x0, s1;
	[sflag:s0] =	ssyncset.done @!p0 $0x0  }
0x92: {  	[sflag:s0] =	ssyncadd.s32 @!p0 s1  }
0x93: {  	[bflag:$0x3] =	sbarrier.arrive $0xFFFF  }
0x94: {  	_ =	shalt  }

</sc_bundles>
